<compile_context>
chip_gen: v7x
topology: tpu7x:2x2x1
jax: 0.10.2.dev20260603
libtpu: 0.0.44.dev20260713+nightly
codegen_flags: <defaults>
</compile_context>

<pallas_src>
import numpy as np
import jax
import jax.numpy as jnp
from jax import lax
from jax.experimental import pallas as pl
from jax.experimental.pallas import tpu as pltpu
from jax.experimental.pallas import tpu_sc as plsc

NSLICE = 6
H = W = 160
HW = H * W
SB = NSLICE * HW
SBP = 153856
TRASH = SB
NC, NS = 2, 16
ALPHAS = [float(a) for a in np.linspace(0.0, 1.0, NSLICE + 1, dtype=np.float32)]

CH = 32768
CHR = CH // 128


def _minmax_call(z, B, N):
    NCHUNK = N // CH

    def body(z_ref, lo_ref, hi_ref):
        c = pl.program_id(0)
        zv = z_ref[...]
        lo = jnp.min(zv, axis=(1, 2), keepdims=True)
        hi = jnp.max(zv, axis=(1, 2), keepdims=True)

        @pl.when(c == 0)
        def _():
            lo_ref[...] = lo
            hi_ref[...] = hi

        @pl.when(c != 0)
        def _():
            lo_ref[...] = jnp.minimum(lo_ref[...], lo)
            hi_ref[...] = jnp.maximum(hi_ref[...], hi)

    return pl.pallas_call(
        body,
        grid=(NCHUNK,),
        in_specs=[pl.BlockSpec((B, CHR, 128), lambda c: (0, c, 0))],
        out_specs=[pl.BlockSpec((B, 1, 1), lambda c: (0, 0, 0)),
                   pl.BlockSpec((B, 1, 1), lambda c: (0, 0, 0))],
        out_shape=[jax.ShapeDtypeStruct((B, 1, 1), jnp.float32),
                   jax.ShapeDtypeStruct((B, 1, 1), jnp.float32)],
    )(z.reshape(B, N // 128, 128))


NGROUP = 2


def _index_call(x, y, z, zlo, zhi, B, N, g):
    NCHUNK = N // CH
    BH = B // NGROUP
    chunk_spec = pl.BlockSpec((BH, CHR, 128), lambda c: (g, c, 0))
    scalar_spec = pl.BlockSpec((BH, 1, 1), lambda c: (g, 0, 0))

    def body(x_ref, y_ref, z_ref, lo_ref, hi_ref, idx_ref):
        xv = x_ref[...]
        yv = y_ref[...]
        zv = z_ref[...]
        lo = lo_ref[...]
        hi = hi_ref[...]
        gx = (xv - (-1.0)) / 2.000001 * (W - 1)
        gy = (yv - (-1.0)) / 2.000001 * (H - 1)
        valid = (gy >= 0.0) & (gy < H) & (gx >= 0.0) & (gx < W)
        iy = jnp.clip(gy.astype(jnp.int32), 0, H - 1)
        ix = jnp.clip(gx.astype(jnp.int32), 0, W - 1)
        flat = iy * W + ix
        s = jnp.zeros_like(flat)
        for j in range(1, NSLICE + 1):
            e = lo + (hi - lo) * ALPHAS[j]
            s += (zv >= e).astype(jnp.int32)
        idx_ref[...] = jnp.where(valid & (s < NSLICE), s * HW + flat, TRASH)

    out_spec = pl.BlockSpec((BH, CHR, 128), lambda c: (0, c, 0))
    return pl.pallas_call(
        body,
        grid=(NCHUNK,),
        in_specs=[chunk_spec, chunk_spec, chunk_spec, scalar_spec,
                  scalar_spec],
        out_specs=out_spec,
        out_shape=jax.ShapeDtypeStruct((BH, N // 128, 128), jnp.int32),
    )(x.reshape(B, N // 128, 128), y.reshape(B, N // 128, 128),
      z.reshape(B, N // 128, 128), zlo, zhi)


def _scatter_call(idx_flat, B, N):
    BPC = B // NC
    PPT = N // NS
    SHARE = SB // NS
    ZSHARE = SBP // NS

    mesh = plsc.VectorSubcoreMesh(core_axis_name="c", subcore_axis_name="s")

    def body(idx_hbm, out_hbm, idx_v, ones_v, zero_v, hist):
        cid = lax.axis_index("c")
        sid = lax.axis_index("s")

        def fill_ones(i, carry):
            for j in range(8):
                ones_v[pl.ds(i * 128 + j * 16, 16)] = jnp.full(
                    (16,), 1.0, jnp.float32)
            return carry

        def fill_zero(i, carry):
            for j in range(8):
                zero_v[pl.ds(i * 128 + j * 16, 16)] = jnp.zeros(
                    (16,), jnp.float32)
            return carry

        lax.fori_loop(0, PPT // 128, fill_ones, 0)
        lax.fori_loop(0, ZSHARE // 128, fill_zero, 0)

        for b in range(BPC):
            batch = cid * BPC + b
            pltpu.sync_copy(idx_hbm.at[pl.ds(batch * N + sid * PPT, PPT)],
                            idx_v)
            pltpu.sync_copy(zero_v, hist.at[pl.ds(sid * ZSHARE, ZSHARE)])
            plsc.subcore_barrier()
            pltpu.sync_copy(ones_v, hist.at[idx_v], add=True)
            plsc.subcore_barrier()
            pltpu.sync_copy(hist.at[pl.ds(sid * SHARE, SHARE)],
                            out_hbm.at[pl.ds(batch * SB + sid * SHARE,
                                             SHARE)])
            plsc.subcore_barrier()

    f = pl.kernel(
        body,
        out_type=jax.ShapeDtypeStruct((B * SB,), jnp.float32),
        mesh=mesh,
        scratch_types=[
            pltpu.VMEM((PPT,), jnp.int32),
            pltpu.VMEM((PPT,), jnp.float32),
            pltpu.VMEM((ZSHARE,), jnp.float32),
            pltpu.VMEM_SHARED((SBP,), jnp.float32),
        ],
    )
    return f(idx_flat)


def _normalize_call(counts, B):
    ROWS = HW // 128

    def body(c_ref, o_ref):
        bev = jnp.log1p(c_ref[...])
        bmin = jnp.min(bev)
        bmax = jnp.max(bev)
        o_ref[...] = (bev - bmin) / (bmax - bmin + 1e-6)

    return pl.pallas_call(
        body,
        grid=(B * NSLICE,),
        in_specs=[pl.BlockSpec((ROWS, 128), lambda i: (i, 0))],
        out_specs=pl.BlockSpec((ROWS, 128), lambda i: (i, 0)),
        out_shape=jax.ShapeDtypeStruct((B * NSLICE * ROWS, 128),
                                       jnp.float32),
    )(counts)


def kernel(xyz):
    B, N, _ = xyz.shape
    BH = B // NGROUP
    x = xyz[..., 0]
    y = xyz[..., 1]
    z = xyz[..., 2]
    zlo, zhi = _minmax_call(z, B, N)
    bevs = []
    for g in range(NGROUP):
        idx = _index_call(x, y, z, zlo, zhi, B, N, g)
        counts = _scatter_call(idx.reshape(BH * N), BH, N)
        bev = _normalize_call(
            counts.reshape(BH * NSLICE * (HW // 128), 128), BH)
        bevs.append(bev.reshape(BH, NSLICE, H, W))
    return jnp.concatenate(bevs, axis=0)

# --- scband reference (transcript-rebuilt; emitter-appended) ---
"""Pipeline reference for scband-bevgenerator-80882824119006 (READ-ONLY COPY).

The authoritative reference and input builder live on the scoring server;
editing this copy changes nothing except your own understanding.
"""

import jax, jax.numpy as jnp
import numpy as np

NUM_SLICES = 6
H, W = 160, 160
X_MIN, X_MAX = -1.0, 1.0
Y_MIN, Y_MAX = -1.0, 1.0


def setup_inputs(seed: int = 0) -> dict:
    key = jax.random.key(seed)
    xyz = jax.random.uniform(key, (8, 262144, 3), dtype=jnp.float32)
    return {"xyz": xyz}


def reference(xyz):
    B, N, _ = xyz.shape
    gx = (xyz[..., 0] - X_MIN) / (X_MAX - X_MIN + 1e-6) * (W - 1)
    gy = (xyz[..., 1] - Y_MIN) / (Y_MAX - Y_MIN + 1e-6) * (H - 1)
    z = xyz[..., 2]
    z_min = jnp.min(z, axis=1, keepdims=True)
    z_max = jnp.max(z, axis=1, keepdims=True)
    alphas = jnp.linspace(0.0, 1.0, NUM_SLICES + 1, dtype=jnp.float32)
    edges = z_min + (z_max - z_min) * alphas[None, :]  # [B, S+1]
    # torch filters float coords to [0, H) x [0, W) before .long(); for kept
    # (nonnegative) values trunc == floor, so int32 cast matches.
    valid = (gy >= 0) & (gy < H) & (gx >= 0) & (gx < W)
    iy = jnp.clip(gy.astype(jnp.int32), 0, H - 1)
    ix = jnp.clip(gx.astype(jnp.int32), 0, W - 1)
    flat = iy * W + ix  # [B, N]

    def scatter_one(f, w):
        return jnp.zeros((H * W,), jnp.float32).at[f].add(w)

    bev_stack = []
    for i in range(NUM_SLICES):
        low = edges[:, i:i + 1]
        high = edges[:, i + 1:i + 2]
        mask = (z >= low) & (z < high) & valid
        wts = mask.astype(jnp.float32)
        bev = jax.vmap(scatter_one)(flat, wts).reshape(B, H, W)
        bev = jnp.log1p(bev)
        bmin = jnp.min(bev, axis=(1, 2), keepdims=True)
        bmax = jnp.max(bev, axis=(1, 2), keepdims=True)
        bev = (bev - bmin) / (bmax - bmin + 1e-6)
        bev_stack.append(bev)
    return jnp.stack(bev_stack, axis=1)

if __name__ == "__main__":
    import jax
    _d = setup_inputs()
    print(jax.jit(kernel)(*tuple(_d.values())))

</pallas_src>

<mosaic_0001>
#map = affine_map<(d0, d1) -> (0)>
module attributes {stable_mosaic.version = 14 : i64} {
  func.func @body(%arg0: i32, %arg1: i32, %arg2: memref<1048576xi32, #tpu.memory_space<hbm>>, %arg3: memref<614400xf32, #tpu.memory_space<hbm>>, %arg4: memref<16384xi32, #tpu.memory_space<vmem>>, %arg5: memref<16384xf32, #tpu.memory_space<vmem>>, %arg6: memref<9616xf32, #tpu.memory_space<vmem>>, %arg7: memref<153856xf32, #tpu.memory_space<vmem_shared>>) attributes {dimension_semantics = [#tpu.dimension_semantics<core_parallel>, #tpu.dimension_semantics<subcore_parallel>], iteration_bounds = array<i64: 2, 16>, scalar_prefetch = 0 : i64, scratch_operands = 4 : i64, tpu.core_type = #tpu.core_type<sc_vector_subcore>, window_params = [{transform_indices = #map}, {transform_indices = #map}]} {
    %scan3A = arith.constant 0 : i32
    %scan3A_0 = arith.constant 0 : i32
    %scan3A_1 = arith.constant 128 : i32
    %scan3A_2 = arith.addi %scan3A_0, %scan3A_1 : i32
    %scan3A_3 = arith.constant 1 : i32
    scf.for %scan3A_50 = %scan3A_0 to %scan3A_2 step %scan3A_3  : i32 {
      %broadcast_in_dim3A = arith.constant 1.000000e+00 : f32
      %broadcast_in_dim3A_51 = vector.broadcast %broadcast_in_dim3A : f32 to vector<16xf32>
      %mul3A_52 = arith.constant 128 : i32
      %mul3A_53 = arith.muli %scan3A_50, %mul3A_52 : i32
      %add3A_54 = arith.constant 0 : i32
      %add3A_55 = arith.addi %mul3A_53, %add3A_54 : i32
      %swap3A = arith.index_cast %add3A_55 : i32 to index
      %swap3A_56 = tpu.vector_load %arg5[%swap3A] {strides = array<i32>} : memref<16384xf32, #tpu.memory_space<vmem>>, vector<16xf32>,
      %swap3A_57 = vector.shape_cast %swap3A_56 : vector<16xf32> to vector<16xf32>
      %swap3A_58 = vector.shape_cast %broadcast_in_dim3A_51 : vector<16xf32> to vector<16xf32>
      tpu.vector_store %arg5[%swap3A], %swap3A_58 {strides = array<i32>} : memref<16384xf32, #tpu.memory_space<vmem>>, vector<16xf32>,
      %broadcast_in_dim3A_59 = arith.constant 1.000000e+00 : f32
      %broadcast_in_dim3A_60 = vector.broadcast %broadcast_in_dim3A_59 : f32 to vector<16xf32>
      %mul3A_61 = arith.constant 128 : i32
      %mul3A_62 = arith.muli %scan3A_50, %mul3A_61 : i32
      %add3A_63 = arith.constant 16 : i32
      %add3A_64 = arith.addi %mul3A_62, %add3A_63 : i32
      %swap3A_65 = arith.index_cast %add3A_64 : i32 to index
      %swap3A_66 = tpu.vector_load %arg5[%swap3A_65] {strides = array<i32>} : memref<16384xf32, #tpu.memory_space<vmem>>, vector<16xf32>,
      %swap3A_67 = vector.shape_cast %swap3A_66 : vector<16xf32> to vector<16xf32>
      %swap3A_68 = vector.shape_cast %broadcast_in_dim3A_60 : vector<16xf32> to vector<16xf32>
      tpu.vector_store %arg5[%swap3A_65], %swap3A_68 {strides = array<i32>} : memref<16384xf32, #tpu.memory_space<vmem>>, vector<16xf32>,
      %broadcast_in_dim3A_69 = arith.constant 1.000000e+00 : f32
      %broadcast_in_dim3A_70 = vector.broadcast %broadcast_in_dim3A_69 : f32 to vector<16xf32>
      %mul3A_71 = arith.constant 128 : i32
      %mul3A_72 = arith.muli %scan3A_50, %mul3A_71 : i32
      %add3A_73 = arith.constant 32 : i32
      %add3A_74 = arith.addi %mul3A_72, %add3A_73 : i32
      %swap3A_75 = arith.index_cast %add3A_74 : i32 to index
      %swap3A_76 = tpu.vector_load %arg5[%swap3A_75] {strides = array<i32>} : memref<16384xf32, #tpu.memory_space<vmem>>, vector<16xf32>,
      %swap3A_77 = vector.shape_cast %swap3A_76 : vector<16xf32> to vector<16xf32>
      %swap3A_78 = vector.shape_cast %broadcast_in_dim3A_70 : vector<16xf32> to vector<16xf32>
      tpu.vector_store %arg5[%swap3A_75], %swap3A_78 {strides = array<i32>} : memref<16384xf32, #tpu.memory_space<vmem>>, vector<16xf32>,
      %broadcast_in_dim3A_79 = arith.constant 1.000000e+00 : f32
      %broadcast_in_dim3A_80 = vector.broadcast %broadcast_in_dim3A_79 : f32 to vector<16xf32>
      %mul3A_81 = arith.constant 128 : i32
      %mul3A_82 = arith.muli %scan3A_50, %mul3A_81 : i32
      %add3A_83 = arith.constant 48 : i32
      %add3A_84 = arith.addi %mul3A_82, %add3A_83 : i32
      %swap3A_85 = arith.index_cast %add3A_84 : i32 to index
      %swap3A_86 = tpu.vector_load %arg5[%swap3A_85] {strides = array<i32>} : memref<16384xf32, #tpu.memory_space<vmem>>, vector<16xf32>,
      %swap3A_87 = vector.shape_cast %swap3A_86 : vector<16xf32> to vector<16xf32>
      %swap3A_88 = vector.shape_cast %broadcast_in_dim3A_80 : vector<16xf32> to vector<16xf32>
      tpu.vector_store %arg5[%swap3A_85], %swap3A_88 {strides = array<i32>} : memref<16384xf32, #tpu.memory_space<vmem>>, vector<16xf32>,
      %broadcast_in_dim3A_89 = arith.constant 1.000000e+00 : f32
      %broadcast_in_dim3A_90 = vector.broadcast %broadcast_in_dim3A_89 : f32 to vector<16xf32>
      %mul3A_91 = arith.constant 128 : i32
      %mul3A_92 = arith.muli %scan3A_50, %mul3A_91 : i32
      %add3A_93 = arith.constant 64 : i32
      %add3A_94 = arith.addi %mul3A_92, %add3A_93 : i32
      %swap3A_95 = arith.index_cast %add3A_94 : i32 to index
      %swap3A_96 = tpu.vector_load %arg5[%swap3A_95] {strides = array<i32>} : memref<16384xf32, #tpu.memory_space<vmem>>, vector<16xf32>,
      %swap3A_97 = vector.shape_cast %swap3A_96 : vector<16xf32> to vector<16xf32>
      %swap3A_98 = vector.shape_cast %broadcast_in_dim3A_90 : vector<16xf32> to vector<16xf32>
      tpu.vector_store %arg5[%swap3A_95], %swap3A_98 {strides = array<i32>} : memref<16384xf32, #tpu.memory_space<vmem>>, vector<16xf32>,
      %broadcast_in_dim3A_99 = arith.constant 1.000000e+00 : f32
      %broadcast_in_dim3A_100 = vector.broadcast %broadcast_in_dim3A_99 : f32 to vector<16xf32>
      %mul3A_101 = arith.constant 128 : i32
      %mul3A_102 = arith.muli %scan3A_50, %mul3A_101 : i32
      %add3A_103 = arith.constant 80 : i32
      %add3A_104 = arith.addi %mul3A_102, %add3A_103 : i32
      %swap3A_105 = arith.index_cast %add3A_104 : i32 to index
      %swap3A_106 = tpu.vector_load %arg5[%swap3A_105] {strides = array<i32>} : memref<16384xf32, #tpu.memory_space<vmem>>, vector<16xf32>,
      %swap3A_107 = vector.shape_cast %swap3A_106 : vector<16xf32> to vector<16xf32>
      %swap3A_108 = vector.shape_cast %broadcast_in_dim3A_100 : vector<16xf32> to vector<16xf32>
      tpu.vector_store %arg5[%swap3A_105], %swap3A_108 {strides = array<i32>} : memref<16384xf32, #tpu.memory_space<vmem>>, vector<16xf32>,
      %broadcast_in_dim3A_109 = arith.constant 1.000000e+00 : f32
      %broadcast_in_dim3A_110 = vector.broadcast %broadcast_in_dim3A_109 : f32 to vector<16xf32>
      %mul3A_111 = arith.constant 128 : i32
      %mul3A_112 = arith.muli %scan3A_50, %mul3A_111 : i32
      %add3A_113 = arith.constant 96 : i32
      %add3A_114 = arith.addi %mul3A_112, %add3A_113 : i32
      %swap3A_115 = arith.index_cast %add3A_114 : i32 to index
      %swap3A_116 = tpu.vector_load %arg5[%swap3A_115] {strides = array<i32>} : memref<16384xf32, #tpu.memory_space<vmem>>, vector<16xf32>,
      %swap3A_117 = vector.shape_cast %swap3A_116 : vector<16xf32> to vector<16xf32>
      %swap3A_118 = vector.shape_cast %broadcast_in_dim3A_110 : vector<16xf32> to vector<16xf32>
      tpu.vector_store %arg5[%swap3A_115], %swap3A_118 {strides = array<i32>} : memref<16384xf32, #tpu.memory_space<vmem>>, vector<16xf32>,
      %broadcast_in_dim3A_119 = arith.constant 1.000000e+00 : f32
      %broadcast_in_dim3A_120 = vector.broadcast %broadcast_in_dim3A_119 : f32 to vector<16xf32>
      %mul3A_121 = arith.constant 128 : i32
      %mul3A_122 = arith.muli %scan3A_50, %mul3A_121 : i32
      %add3A_123 = arith.constant 112 : i32
      %add3A_124 = arith.addi %mul3A_122, %add3A_123 : i32
      %swap3A_125 = arith.index_cast %add3A_124 : i32 to index
      %swap3A_126 = tpu.vector_load %arg5[%swap3A_125] {strides = array<i32>} : memref<16384xf32, #tpu.memory_space<vmem>>, vector<16xf32>,
      %swap3A_127 = vector.shape_cast %swap3A_126 : vector<16xf32> to vector<16xf32>
      %swap3A_128 = vector.shape_cast %broadcast_in_dim3A_120 : vector<16xf32> to vector<16xf32>
      tpu.vector_store %arg5[%swap3A_125], %swap3A_128 {strides = array<i32>} : memref<16384xf32, #tpu.memory_space<vmem>>, vector<16xf32>,
    }
    %scan3A_4 = arith.constant 128 : i32
    %scan3A_5 = arith.constant 0 : i32
    %scan3A_6 = arith.constant 0 : i32
    %scan3A_7 = arith.constant 75 : i32
    %scan3A_8 = arith.addi %scan3A_6, %scan3A_7 : i32
    %scan3A_9 = arith.constant 1 : i32
    scf.for %scan3A_50 = %scan3A_6 to %scan3A_8 step %scan3A_9  : i32 {
      %broadcast_in_dim3A = arith.constant 0.000000e+00 : f32
      %broadcast_in_dim3A_51 = vector.broadcast %broadcast_in_dim3A : f32 to vector<16xf32>
      %mul3A_52 = arith.constant 128 : i32
      %mul3A_53 = arith.muli %scan3A_50, %mul3A_52 : i32
      %add3A_54 = arith.constant 0 : i32
      %add3A_55 = arith.addi %mul3A_53, %add3A_54 : i32
      %swap3A = arith.index_cast %add3A_55 : i32 to index
      %swap3A_56 = tpu.vector_load %arg6[%swap3A] {strides = array<i32>} : memref<9616xf32, #tpu.memory_space<vmem>>, vector<16xf32>,
      %swap3A_57 = vector.shape_cast %swap3A_56 : vector<16xf32> to vector<16xf32>
      %swap3A_58 = vector.shape_cast %broadcast_in_dim3A_51 : vector<16xf32> to vector<16xf32>
      tpu.vector_store %arg6[%swap3A], %swap3A_58 {strides = array<i32>} : memref<9616xf32, #tpu.memory_space<vmem>>, vector<16xf32>,
      %broadcast_in_dim3A_59 = arith.constant 0.000000e+00 : f32
      %broadcast_in_dim3A_60 = vector.broadcast %broadcast_in_dim3A_59 : f32 to vector<16xf32>
      %mul3A_61 = arith.constant 128 : i32
      %mul3A_62 = arith.muli %scan3A_50, %mul3A_61 : i32
      %add3A_63 = arith.constant 16 : i32
      %add3A_64 = arith.addi %mul3A_62, %add3A_63 : i32
      %swap3A_65 = arith.index_cast %add3A_64 : i32 to index
      %swap3A_66 = tpu.vector_load %arg6[%swap3A_65] {strides = array<i32>} : memref<9616xf32, #tpu.memory_space<vmem>>, vector<16xf32>,
      %swap3A_67 = vector.shape_cast %swap3A_66 : vector<16xf32> to vector<16xf32>
      %swap3A_68 = vector.shape_cast %broadcast_in_dim3A_60 : vector<16xf32> to vector<16xf32>
      tpu.vector_store %arg6[%swap3A_65], %swap3A_68 {strides = array<i32>} : memref<9616xf32, #tpu.memory_space<vmem>>, vector<16xf32>,
      %broadcast_in_dim3A_69 = arith.constant 0.000000e+00 : f32
      %broadcast_in_dim3A_70 = vector.broadcast %broadcast_in_dim3A_69 : f32 to vector<16xf32>
      %mul3A_71 = arith.constant 128 : i32
      %mul3A_72 = arith.muli %scan3A_50, %mul3A_71 : i32
      %add3A_73 = arith.constant 32 : i32
      %add3A_74 = arith.addi %mul3A_72, %add3A_73 : i32
      %swap3A_75 = arith.index_cast %add3A_74 : i32 to index
      %swap3A_76 = tpu.vector_load %arg6[%swap3A_75] {strides = array<i32>} : memref<9616xf32, #tpu.memory_space<vmem>>, vector<16xf32>,
      %swap3A_77 = vector.shape_cast %swap3A_76 : vector<16xf32> to vector<16xf32>
      %swap3A_78 = vector.shape_cast %broadcast_in_dim3A_70 : vector<16xf32> to vector<16xf32>
      tpu.vector_store %arg6[%swap3A_75], %swap3A_78 {strides = array<i32>} : memref<9616xf32, #tpu.memory_space<vmem>>, vector<16xf32>,
      %broadcast_in_dim3A_79 = arith.constant 0.000000e+00 : f32
      %broadcast_in_dim3A_80 = vector.broadcast %broadcast_in_dim3A_79 : f32 to vector<16xf32>
      %mul3A_81 = arith.constant 128 : i32
      %mul3A_82 = arith.muli %scan3A_50, %mul3A_81 : i32
      %add3A_83 = arith.constant 48 : i32
      %add3A_84 = arith.addi %mul3A_82, %add3A_83 : i32
      %swap3A_85 = arith.index_cast %add3A_84 : i32 to index
      %swap3A_86 = tpu.vector_load %arg6[%swap3A_85] {strides = array<i32>} : memref<9616xf32, #tpu.memory_space<vmem>>, vector<16xf32>,
      %swap3A_87 = vector.shape_cast %swap3A_86 : vector<16xf32> to vector<16xf32>
      %swap3A_88 = vector.shape_cast %broadcast_in_dim3A_80 : vector<16xf32> to vector<16xf32>
      tpu.vector_store %arg6[%swap3A_85], %swap3A_88 {strides = array<i32>} : memref<9616xf32, #tpu.memory_space<vmem>>, vector<16xf32>,
      %broadcast_in_dim3A_89 = arith.constant 0.000000e+00 : f32
      %broadcast_in_dim3A_90 = vector.broadcast %broadcast_in_dim3A_89 : f32 to vector<16xf32>
      %mul3A_91 = arith.constant 128 : i32
      %mul3A_92 = arith.muli %scan3A_50, %mul3A_91 : i32
      %add3A_93 = arith.constant 64 : i32
      %add3A_94 = arith.addi %mul3A_92, %add3A_93 : i32
      %swap3A_95 = arith.index_cast %add3A_94 : i32 to index
      %swap3A_96 = tpu.vector_load %arg6[%swap3A_95] {strides = array<i32>} : memref<9616xf32, #tpu.memory_space<vmem>>, vector<16xf32>,
      %swap3A_97 = vector.shape_cast %swap3A_96 : vector<16xf32> to vector<16xf32>
      %swap3A_98 = vector.shape_cast %broadcast_in_dim3A_90 : vector<16xf32> to vector<16xf32>
      tpu.vector_store %arg6[%swap3A_95], %swap3A_98 {strides = array<i32>} : memref<9616xf32, #tpu.memory_space<vmem>>, vector<16xf32>,
      %broadcast_in_dim3A_99 = arith.constant 0.000000e+00 : f32
      %broadcast_in_dim3A_100 = vector.broadcast %broadcast_in_dim3A_99 : f32 to vector<16xf32>
      %mul3A_101 = arith.constant 128 : i32
      %mul3A_102 = arith.muli %scan3A_50, %mul3A_101 : i32
      %add3A_103 = arith.constant 80 : i32
      %add3A_104 = arith.addi %mul3A_102, %add3A_103 : i32
      %swap3A_105 = arith.index_cast %add3A_104 : i32 to index
      %swap3A_106 = tpu.vector_load %arg6[%swap3A_105] {strides = array<i32>} : memref<9616xf32, #tpu.memory_space<vmem>>, vector<16xf32>,
      %swap3A_107 = vector.shape_cast %swap3A_106 : vector<16xf32> to vector<16xf32>
      %swap3A_108 = vector.shape_cast %broadcast_in_dim3A_100 : vector<16xf32> to vector<16xf32>
      tpu.vector_store %arg6[%swap3A_105], %swap3A_108 {strides = array<i32>} : memref<9616xf32, #tpu.memory_space<vmem>>, vector<16xf32>,
      %broadcast_in_dim3A_109 = arith.constant 0.000000e+00 : f32
      %broadcast_in_dim3A_110 = vector.broadcast %broadcast_in_dim3A_109 : f32 to vector<16xf32>
      %mul3A_111 = arith.constant 128 : i32
      %mul3A_112 = arith.muli %scan3A_50, %mul3A_111 : i32
      %add3A_113 = arith.constant 96 : i32
      %add3A_114 = arith.addi %mul3A_112, %add3A_113 : i32
      %swap3A_115 = arith.index_cast %add3A_114 : i32 to index
      %swap3A_116 = tpu.vector_load %arg6[%swap3A_115] {strides = array<i32>} : memref<9616xf32, #tpu.memory_space<vmem>>, vector<16xf32>,
      %swap3A_117 = vector.shape_cast %swap3A_116 : vector<16xf32> to vector<16xf32>
      %swap3A_118 = vector.shape_cast %broadcast_in_dim3A_110 : vector<16xf32> to vector<16xf32>
      tpu.vector_store %arg6[%swap3A_115], %swap3A_118 {strides = array<i32>} : memref<9616xf32, #tpu.memory_space<vmem>>, vector<16xf32>,
      %broadcast_in_dim3A_119 = arith.constant 0.000000e+00 : f32
      %broadcast_in_dim3A_120 = vector.broadcast %broadcast_in_dim3A_119 : f32 to vector<16xf32>
      %mul3A_121 = arith.constant 128 : i32
      %mul3A_122 = arith.muli %scan3A_50, %mul3A_121 : i32
      %add3A_123 = arith.constant 112 : i32
      %add3A_124 = arith.addi %mul3A_122, %add3A_123 : i32
      %swap3A_125 = arith.index_cast %add3A_124 : i32 to index
      %swap3A_126 = tpu.vector_load %arg6[%swap3A_125] {strides = array<i32>} : memref<9616xf32, #tpu.memory_space<vmem>>, vector<16xf32>,
      %swap3A_127 = vector.shape_cast %swap3A_126 : vector<16xf32> to vector<16xf32>
      %swap3A_128 = vector.shape_cast %broadcast_in_dim3A_120 : vector<16xf32> to vector<16xf32>
      tpu.vector_store %arg6[%swap3A_125], %swap3A_128 {strides = array<i32>} : memref<9616xf32, #tpu.memory_space<vmem>>, vector<16xf32>,
    }
    %scan3A_10 = arith.constant 75 : i32
    %mul3A = arith.constant 2 : i32
    %mul3A_11 = arith.muli %arg0, %mul3A : i32
    %add3A = arith.constant 0 : i32
    %add3A_12 = arith.addi %mul3A_11, %add3A : i32
    %mul3A_13 = arith.constant 262144 : i32
    %mul3A_14 = arith.muli %add3A_12, %mul3A_13 : i32
    %mul3A_15 = arith.constant 16384 : i32
    %mul3A_16 = arith.muli %arg1, %mul3A_15 : i32
    %add3A_17 = arith.addi %mul3A_14, %mul3A_16 : i32
    "tpu.region"() ({
      %run_scoped3A = tpu.sem_alloc : memref<!tpu.dma_semaphore, #tpu.memory_space<semaphore_mem>>
      %dma_start3A = tpu.memref_slice %arg2[%add3A_17] : memref<1048576xi32, #tpu.memory_space<hbm>> -> memref<16384xi32, #tpu.memory_space<hbm>>
      %dma_start3A_50 = tpu.memref_slice %arg2[%add3A_17] : memref<1048576xi32, #tpu.memory_space<hbm>> -> memref<16384xi32, #tpu.memory_space<hbm>>
      tpu.enqueue_dma source(%dma_start3A_50 : memref<16384xi32, #tpu.memory_space<hbm>>) target(%arg4 : memref<16384xi32, #tpu.memory_space<vmem>>) target_semaphore(%run_scoped3A : memref<!tpu.dma_semaphore, #tpu.memory_space<semaphore_mem>>)
      %dma_wait3A = tpu.memref_slice %arg2[%add3A_17] : memref<1048576xi32, #tpu.memory_space<hbm>> -> memref<16384xi32, #tpu.memory_space<hbm>>
      %dma_wait3A_51 = tpu.memref_slice %arg2[%add3A_17] : memref<1048576xi32, #tpu.memory_space<hbm>> -> memref<16384xi32, #tpu.memory_space<hbm>>
      tpu.wait_dma2 semaphore(%run_scoped3A : memref<!tpu.dma_semaphore, #tpu.memory_space<semaphore_mem>>) src(%dma_wait3A_51 : memref<16384xi32, #tpu.memory_space<hbm>>) dst(%arg4 : memref<16384xi32, #tpu.memory_space<vmem>>)
      tpu.yield
    }) : () -> ()
    %mul3A_18 = arith.constant 9616 : i32
    %mul3A_19 = arith.muli %arg1, %mul3A_18 : i32
    "tpu.region"() ({
      %run_scoped3A = tpu.sem_alloc : memref<!tpu.dma_semaphore, #tpu.memory_space<semaphore_mem>>
      %dma_start3A = tpu.memref_slice %arg7[%mul3A_19] : memref<153856xf32, #tpu.memory_space<vmem_shared>> -> memref<9616xf32, #tpu.memory_space<vmem_shared>>
      %dma_start3A_50 = tpu.memref_slice %arg7[%mul3A_19] : memref<153856xf32, #tpu.memory_space<vmem_shared>> -> memref<9616xf32, #tpu.memory_space<vmem_shared>>
      tpu.enqueue_dma source(%arg6 : memref<9616xf32, #tpu.memory_space<vmem>>) target(%dma_start3A_50 : memref<9616xf32, #tpu.memory_space<vmem_shared>>) target_semaphore(%run_scoped3A : memref<!tpu.dma_semaphore, #tpu.memory_space<semaphore_mem>>)
      %dma_wait3A = tpu.memref_slice %arg7[%mul3A_19] : memref<153856xf32, #tpu.memory_space<vmem_shared>> -> memref<9616xf32, #tpu.memory_space<vmem_shared>>
      %dma_wait3A_51 = tpu.memref_slice %arg7[%mul3A_19] : memref<153856xf32, #tpu.memory_space<vmem_shared>> -> memref<9616xf32, #tpu.memory_space<vmem_shared>>
      tpu.wait_dma2 semaphore(%run_scoped3A : memref<!tpu.dma_semaphore, #tpu.memory_space<semaphore_mem>>) src(%arg6 : memref<9616xf32, #tpu.memory_space<vmem>>) dst(%dma_wait3A_51 : memref<9616xf32, #tpu.memory_space<vmem_shared>>)
      tpu.yield
    }) : () -> ()
    %barrier3A = arith.constant 0 : index
    tpu.barrier barrier_id(%barrier3A)
    "tpu.region"() ({
      %run_scoped3A = tpu.sem_alloc : memref<!tpu.dma_semaphore, #tpu.memory_space<semaphore_mem>>
      %dma_start3A = arith.constant 0 : i32
      %dma_start3A_50 = tpu.memref_slice %arg7[%dma_start3A] : memref<153856xf32, #tpu.memory_space<vmem_shared>> -> memref<153856xf32, #tpu.memory_space<vmem_shared>>
      tpu.enqueue_indirect_dma source(%arg5 : memref<16384xf32, #tpu.memory_space<vmem>>) target(%dma_start3A_50 : memref<153856xf32, #tpu.memory_space<vmem_shared>>) offsets(%arg4 : memref<16384xi32, #tpu.memory_space<vmem>>) semaphore(%run_scoped3A : memref<!tpu.dma_semaphore, #tpu.memory_space<semaphore_mem>>) {add = true}
      %dma_wait3A = arith.constant 0 : i32
      %dma_wait3A_51 = tpu.memref_slice %arg7[%dma_wait3A] : memref<153856xf32, #tpu.memory_space<vmem_shared>> -> memref<153856xf32, #tpu.memory_space<vmem_shared>>
      tpu.wait_indirect_dma semaphore(%run_scoped3A : memref<!tpu.dma_semaphore, #tpu.memory_space<semaphore_mem>>) src(%arg5 : memref<16384xf32, #tpu.memory_space<vmem>>) dst(%dma_wait3A_51 : memref<153856xf32, #tpu.memory_space<vmem_shared>>)
      tpu.yield
    }) : () -> ()
    %barrier3A_20 = arith.constant 0 : index
    tpu.barrier barrier_id(%barrier3A_20)
    %mul3A_21 = arith.constant 9600 : i32
    %mul3A_22 = arith.muli %arg1, %mul3A_21 : i32
    %mul3A_23 = arith.constant 153600 : i32
    %mul3A_24 = arith.muli %add3A_12, %mul3A_23 : i32
    %mul3A_25 = arith.constant 9600 : i32
    %mul3A_26 = arith.muli %arg1, %mul3A_25 : i32
    %add3A_27 = arith.addi %mul3A_24, %mul3A_26 : i32
    "tpu.region"() ({
      %run_scoped3A = tpu.sem_alloc : memref<!tpu.dma_semaphore, #tpu.memory_space<semaphore_mem>>
      %dma_start3A = tpu.memref_slice %arg3[%add3A_27] : memref<614400xf32, #tpu.memory_space<hbm>> -> memref<9600xf32, #tpu.memory_space<hbm>>
      %dma_start3A_50 = tpu.memref_slice %arg7[%mul3A_22] : memref<153856xf32, #tpu.memory_space<vmem_shared>> -> memref<9600xf32, #tpu.memory_space<vmem_shared>>
      tpu.enqueue_dma source(%dma_start3A_50 : memref<9600xf32, #tpu.memory_space<vmem_shared>>) target(%dma_start3A : memref<9600xf32, #tpu.memory_space<hbm>>) target_semaphore(%run_scoped3A : memref<!tpu.dma_semaphore, #tpu.memory_space<semaphore_mem>>)
      %dma_wait3A = tpu.memref_slice %arg3[%add3A_27] : memref<614400xf32, #tpu.memory_space<hbm>> -> memref<9600xf32, #tpu.memory_space<hbm>>
      %dma_wait3A_51 = tpu.memref_slice %arg7[%mul3A_22] : memref<153856xf32, #tpu.memory_space<vmem_shared>> -> memref<9600xf32, #tpu.memory_space<vmem_shared>>
      tpu.wait_dma2 semaphore(%run_scoped3A : memref<!tpu.dma_semaphore, #tpu.memory_space<semaphore_mem>>) src(%dma_wait3A_51 : memref<9600xf32, #tpu.memory_space<vmem_shared>>) dst(%dma_wait3A : memref<9600xf32, #tpu.memory_space<hbm>>)
      tpu.yield
    }) : () -> ()
    %barrier3A_28 = arith.constant 0 : index
    tpu.barrier barrier_id(%barrier3A_28)
    %mul3A_29 = arith.constant 2 : i32
    %mul3A_30 = arith.muli %arg0, %mul3A_29 : i32
    %add3A_31 = arith.constant 1 : i32
    %add3A_32 = arith.addi %mul3A_30, %add3A_31 : i32
    %mul3A_33 = arith.constant 262144 : i32
    %mul3A_34 = arith.muli %add3A_32, %mul3A_33 : i32
    %mul3A_35 = arith.constant 16384 : i32
    %mul3A_36 = arith.muli %arg1, %mul3A_35 : i32
    %add3A_37 = arith.addi %mul3A_34, %mul3A_36 : i32
    "tpu.region"() ({
      %run_scoped3A = tpu.sem_alloc : memref<!tpu.dma_semaphore, #tpu.memory_space<semaphore_mem>>
      %dma_start3A = tpu.memref_slice %arg2[%add3A_37] : memref<1048576xi32, #tpu.memory_space<hbm>> -> memref<16384xi32, #tpu.memory_space<hbm>>
      %dma_start3A_50 = tpu.memref_slice %arg2[%add3A_37] : memref<1048576xi32, #tpu.memory_space<hbm>> -> memref<16384xi32, #tpu.memory_space<hbm>>
      tpu.enqueue_dma source(%dma_start3A_50 : memref<16384xi32, #tpu.memory_space<hbm>>) target(%arg4 : memref<16384xi32, #tpu.memory_space<vmem>>) target_semaphore(%run_scoped3A : memref<!tpu.dma_semaphore, #tpu.memory_space<semaphore_mem>>)
      %dma_wait3A = tpu.memref_slice %arg2[%add3A_37] : memref<1048576xi32, #tpu.memory_space<hbm>> -> memref<16384xi32, #tpu.memory_space<hbm>>
      %dma_wait3A_51 = tpu.memref_slice %arg2[%add3A_37] : memref<1048576xi32, #tpu.memory_space<hbm>> -> memref<16384xi32, #tpu.memory_space<hbm>>
      tpu.wait_dma2 semaphore(%run_scoped3A : memref<!tpu.dma_semaphore, #tpu.memory_space<semaphore_mem>>) src(%dma_wait3A_51 : memref<16384xi32, #tpu.memory_space<hbm>>) dst(%arg4 : memref<16384xi32, #tpu.memory_space<vmem>>)
      tpu.yield
    }) : () -> ()
    %mul3A_38 = arith.constant 9616 : i32
    %mul3A_39 = arith.muli %arg1, %mul3A_38 : i32
    "tpu.region"() ({
      %run_scoped3A = tpu.sem_alloc : memref<!tpu.dma_semaphore, #tpu.memory_space<semaphore_mem>>
      %dma_start3A = tpu.memref_slice %arg7[%mul3A_39] : memref<153856xf32, #tpu.memory_space<vmem_shared>> -> memref<9616xf32, #tpu.memory_space<vmem_shared>>
      %dma_start3A_50 = tpu.memref_slice %arg7[%mul3A_39] : memref<153856xf32, #tpu.memory_space<vmem_shared>> -> memref<9616xf32, #tpu.memory_space<vmem_shared>>
      tpu.enqueue_dma source(%arg6 : memref<9616xf32, #tpu.memory_space<vmem>>) target(%dma_start3A_50 : memref<9616xf32, #tpu.memory_space<vmem_shared>>) target_semaphore(%run_scoped3A : memref<!tpu.dma_semaphore, #tpu.memory_space<semaphore_mem>>)
      %dma_wait3A = tpu.memref_slice %arg7[%mul3A_39] : memref<153856xf32, #tpu.memory_space<vmem_shared>> -> memref<9616xf32, #tpu.memory_space<vmem_shared>>
      %dma_wait3A_51 = tpu.memref_slice %arg7[%mul3A_39] : memref<153856xf32, #tpu.memory_space<vmem_shared>> -> memref<9616xf32, #tpu.memory_space<vmem_shared>>
      tpu.wait_dma2 semaphore(%run_scoped3A : memref<!tpu.dma_semaphore, #tpu.memory_space<semaphore_mem>>) src(%arg6 : memref<9616xf32, #tpu.memory_space<vmem>>) dst(%dma_wait3A_51 : memref<9616xf32, #tpu.memory_space<vmem_shared>>)
      tpu.yield
    }) : () -> ()
    %barrier3A_40 = arith.constant 0 : index
    tpu.barrier barrier_id(%barrier3A_40)
    "tpu.region"() ({
      %run_scoped3A = tpu.sem_alloc : memref<!tpu.dma_semaphore, #tpu.memory_space<semaphore_mem>>
      %dma_start3A = arith.constant 0 : i32
      %dma_start3A_50 = tpu.memref_slice %arg7[%dma_start3A] : memref<153856xf32, #tpu.memory_space<vmem_shared>> -> memref<153856xf32, #tpu.memory_space<vmem_shared>>
      tpu.enqueue_indirect_dma source(%arg5 : memref<16384xf32, #tpu.memory_space<vmem>>) target(%dma_start3A_50 : memref<153856xf32, #tpu.memory_space<vmem_shared>>) offsets(%arg4 : memref<16384xi32, #tpu.memory_space<vmem>>) semaphore(%run_scoped3A : memref<!tpu.dma_semaphore, #tpu.memory_space<semaphore_mem>>) {add = true}
      %dma_wait3A = arith.constant 0 : i32
      %dma_wait3A_51 = tpu.memref_slice %arg7[%dma_wait3A] : memref<153856xf32, #tpu.memory_space<vmem_shared>> -> memref<153856xf32, #tpu.memory_space<vmem_shared>>
      tpu.wait_indirect_dma semaphore(%run_scoped3A : memref<!tpu.dma_semaphore, #tpu.memory_space<semaphore_mem>>) src(%arg5 : memref<16384xf32, #tpu.memory_space<vmem>>) dst(%dma_wait3A_51 : memref<153856xf32, #tpu.memory_space<vmem_shared>>)
      tpu.yield
    }) : () -> ()
    %barrier3A_41 = arith.constant 0 : index
    tpu.barrier barrier_id(%barrier3A_41)
    %mul3A_42 = arith.constant 9600 : i32
    %mul3A_43 = arith.muli %arg1, %mul3A_42 : i32
    %mul3A_44 = arith.constant 153600 : i32
    %mul3A_45 = arith.muli %add3A_32, %mul3A_44 : i32
    %mul3A_46 = arith.constant 9600 : i32
    %mul3A_47 = arith.muli %arg1, %mul3A_46 : i32
    %add3A_48 = arith.addi %mul3A_45, %mul3A_47 : i32
    "tpu.region"() ({
      %run_scoped3A = tpu.sem_alloc : memref<!tpu.dma_semaphore, #tpu.memory_space<semaphore_mem>>
      %dma_start3A = tpu.memref_slice %arg3[%add3A_48] : memref<614400xf32, #tpu.memory_space<hbm>> -> memref<9600xf32, #tpu.memory_space<hbm>>
      %dma_start3A_50 = tpu.memref_slice %arg7[%mul3A_43] : memref<153856xf32, #tpu.memory_space<vmem_shared>> -> memref<9600xf32, #tpu.memory_space<vmem_shared>>
      tpu.enqueue_dma source(%dma_start3A_50 : memref<9600xf32, #tpu.memory_space<vmem_shared>>) target(%dma_start3A : memref<9600xf32, #tpu.memory_space<hbm>>) target_semaphore(%run_scoped3A : memref<!tpu.dma_semaphore, #tpu.memory_space<semaphore_mem>>)
      %dma_wait3A = tpu.memref_slice %arg3[%add3A_48] : memref<614400xf32, #tpu.memory_space<hbm>> -> memref<9600xf32, #tpu.memory_space<hbm>>
      %dma_wait3A_51 = tpu.memref_slice %arg7[%mul3A_43] : memref<153856xf32, #tpu.memory_space<vmem_shared>> -> memref<9600xf32, #tpu.memory_space<vmem_shared>>
      tpu.wait_dma2 semaphore(%run_scoped3A : memref<!tpu.dma_semaphore, #tpu.memory_space<semaphore_mem>>) src(%dma_wait3A_51 : memref<9600xf32, #tpu.memory_space<vmem_shared>>) dst(%dma_wait3A : memref<9600xf32, #tpu.memory_space<hbm>>)
      tpu.yield
    }) : () -> ()
    %barrier3A_49 = arith.constant 0 : index
    tpu.barrier barrier_id(%barrier3A_49)
    return
  }
}

#map = affine_map<(d0, d1) -> (0)>
module attributes {stable_mosaic.version = 14 : i64} {
  func.func @body(%arg0: i32, %arg1: i32, %arg2: memref<1048576xi32, #tpu.memory_space<hbm>>, %arg3: memref<614400xf32, #tpu.memory_space<hbm>>, %arg4: memref<16384xi32, #tpu.memory_space<vmem>>, %arg5: memref<16384xf32, #tpu.memory_space<vmem>>, %arg6: memref<9616xf32, #tpu.memory_space<vmem>>, %arg7: memref<153856xf32, #tpu.memory_space<vmem_shared>>) attributes {dimension_semantics = [#tpu.dimension_semantics<core_parallel>, #tpu.dimension_semantics<subcore_parallel>], iteration_bounds = array<i64: 2, 16>, scalar_prefetch = 0 : i64, scratch_operands = 4 : i64, tpu.core_type = #tpu.core_type<sc_vector_subcore>, window_params = [{transform_indices = #map}, {transform_indices = #map}]} {
    %scan3A = arith.constant 0 : i32
    %scan3A_0 = arith.constant 0 : i32
    %scan3A_1 = arith.constant 128 : i32
    %scan3A_2 = arith.addi %scan3A_0, %scan3A_1 : i32
    %scan3A_3 = arith.constant 1 : i32
    scf.for %scan3A_50 = %scan3A_0 to %scan3A_2 step %scan3A_3  : i32 {
      %broadcast_in_dim3A = arith.constant 1.000000e+00 : f32
      %broadcast_in_dim3A_51 = vector.broadcast %broadcast_in_dim3A : f32 to vector<16xf32>
      %mul3A_52 = arith.constant 128 : i32
      %mul3A_53 = arith.muli %scan3A_50, %mul3A_52 : i32
      %add3A_54 = arith.constant 0 : i32
      %add3A_55 = arith.addi %mul3A_53, %add3A_54 : i32
      %swap3A = arith.index_cast %add3A_55 : i32 to index
      %swap3A_56 = tpu.vector_load %arg5[%swap3A] {strides = array<i32>} : memref<16384xf32, #tpu.memory_space<vmem>>, vector<16xf32>,
      %swap3A_57 = vector.shape_cast %swap3A_56 : vector<16xf32> to vector<16xf32>
      %swap3A_58 = vector.shape_cast %broadcast_in_dim3A_51 : vector<16xf32> to vector<16xf32>
      tpu.vector_store %arg5[%swap3A], %swap3A_58 {strides = array<i32>} : memref<16384xf32, #tpu.memory_space<vmem>>, vector<16xf32>,
      %broadcast_in_dim3A_59 = arith.constant 1.000000e+00 : f32
      %broadcast_in_dim3A_60 = vector.broadcast %broadcast_in_dim3A_59 : f32 to vector<16xf32>
      %mul3A_61 = arith.constant 128 : i32
      %mul3A_62 = arith.muli %scan3A_50, %mul3A_61 : i32
      %add3A_63 = arith.constant 16 : i32
      %add3A_64 = arith.addi %mul3A_62, %add3A_63 : i32
      %swap3A_65 = arith.index_cast %add3A_64 : i32 to index
      %swap3A_66 = tpu.vector_load %arg5[%swap3A_65] {strides = array<i32>} : memref<16384xf32, #tpu.memory_space<vmem>>, vector<16xf32>,
      %swap3A_67 = vector.shape_cast %swap3A_66 : vector<16xf32> to vector<16xf32>
      %swap3A_68 = vector.shape_cast %broadcast_in_dim3A_60 : vector<16xf32> to vector<16xf32>
      tpu.vector_store %arg5[%swap3A_65], %swap3A_68 {strides = array<i32>} : memref<16384xf32, #tpu.memory_space<vmem>>, vector<16xf32>,
      %broadcast_in_dim3A_69 = arith.constant 1.000000e+00 : f32
      %broadcast_in_dim3A_70 = vector.broadcast %broadcast_in_dim3A_69 : f32 to vector<16xf32>
      %mul3A_71 = arith.constant 128 : i32
      %mul3A_72 = arith.muli %scan3A_50, %mul3A_71 : i32
      %add3A_73 = arith.constant 32 : i32
      %add3A_74 = arith.addi %mul3A_72, %add3A_73 : i32
      %swap3A_75 = arith.index_cast %add3A_74 : i32 to index
      %swap3A_76 = tpu.vector_load %arg5[%swap3A_75] {strides = array<i32>} : memref<16384xf32, #tpu.memory_space<vmem>>, vector<16xf32>,
      %swap3A_77 = vector.shape_cast %swap3A_76 : vector<16xf32> to vector<16xf32>
      %swap3A_78 = vector.shape_cast %broadcast_in_dim3A_70 : vector<16xf32> to vector<16xf32>
      tpu.vector_store %arg5[%swap3A_75], %swap3A_78 {strides = array<i32>} : memref<16384xf32, #tpu.memory_space<vmem>>, vector<16xf32>,
      %broadcast_in_dim3A_79 = arith.constant 1.000000e+00 : f32
      %broadcast_in_dim3A_80 = vector.broadcast %broadcast_in_dim3A_79 : f32 to vector<16xf32>
      %mul3A_81 = arith.constant 128 : i32
      %mul3A_82 = arith.muli %scan3A_50, %mul3A_81 : i32
      %add3A_83 = arith.constant 48 : i32
      %add3A_84 = arith.addi %mul3A_82, %add3A_83 : i32
      %swap3A_85 = arith.index_cast %add3A_84 : i32 to index
      %swap3A_86 = tpu.vector_load %arg5[%swap3A_85] {strides = array<i32>} : memref<16384xf32, #tpu.memory_space<vmem>>, vector<16xf32>,
      %swap3A_87 = vector.shape_cast %swap3A_86 : vector<16xf32> to vector<16xf32>
      %swap3A_88 = vector.shape_cast %broadcast_in_dim3A_80 : vector<16xf32> to vector<16xf32>
      tpu.vector_store %arg5[%swap3A_85], %swap3A_88 {strides = array<i32>} : memref<16384xf32, #tpu.memory_space<vmem>>, vector<16xf32>,
      %broadcast_in_dim3A_89 = arith.constant 1.000000e+00 : f32
      %broadcast_in_dim3A_90 = vector.broadcast %broadcast_in_dim3A_89 : f32 to vector<16xf32>
      %mul3A_91 = arith.constant 128 : i32
      %mul3A_92 = arith.muli %scan3A_50, %mul3A_91 : i32
      %add3A_93 = arith.constant 64 : i32
      %add3A_94 = arith.addi %mul3A_92, %add3A_93 : i32
      %swap3A_95 = arith.index_cast %add3A_94 : i32 to index
      %swap3A_96 = tpu.vector_load %arg5[%swap3A_95] {strides = array<i32>} : memref<16384xf32, #tpu.memory_space<vmem>>, vector<16xf32>,
      %swap3A_97 = vector.shape_cast %swap3A_96 : vector<16xf32> to vector<16xf32>
      %swap3A_98 = vector.shape_cast %broadcast_in_dim3A_90 : vector<16xf32> to vector<16xf32>
      tpu.vector_store %arg5[%swap3A_95], %swap3A_98 {strides = array<i32>} : memref<16384xf32, #tpu.memory_space<vmem>>, vector<16xf32>,
      %broadcast_in_dim3A_99 = arith.constant 1.000000e+00 : f32
      %broadcast_in_dim3A_100 = vector.broadcast %broadcast_in_dim3A_99 : f32 to vector<16xf32>
      %mul3A_101 = arith.constant 128 : i32
      %mul3A_102 = arith.muli %scan3A_50, %mul3A_101 : i32
      %add3A_103 = arith.constant 80 : i32
      %add3A_104 = arith.addi %mul3A_102, %add3A_103 : i32
      %swap3A_105 = arith.index_cast %add3A_104 : i32 to index
      %swap3A_106 = tpu.vector_load %arg5[%swap3A_105] {strides = array<i32>} : memref<16384xf32, #tpu.memory_space<vmem>>, vector<16xf32>,
      %swap3A_107 = vector.shape_cast %swap3A_106 : vector<16xf32> to vector<16xf32>
      %swap3A_108 = vector.shape_cast %broadcast_in_dim3A_100 : vector<16xf32> to vector<16xf32>
      tpu.vector_store %arg5[%swap3A_105], %swap3A_108 {strides = array<i32>} : memref<16384xf32, #tpu.memory_space<vmem>>, vector<16xf32>,
      %broadcast_in_dim3A_109 = arith.constant 1.000000e+00 : f32
      %broadcast_in_dim3A_110 = vector.broadcast %broadcast_in_dim3A_109 : f32 to vector<16xf32>
      %mul3A_111 = arith.constant 128 : i32
      %mul3A_112 = arith.muli %scan3A_50, %mul3A_111 : i32
      %add3A_113 = arith.constant 96 : i32
      %add3A_114 = arith.addi %mul3A_112, %add3A_113 : i32
      %swap3A_115 = arith.index_cast %add3A_114 : i32 to index
      %swap3A_116 = tpu.vector_load %arg5[%swap3A_115] {strides = array<i32>} : memref<16384xf32, #tpu.memory_space<vmem>>, vector<16xf32>,
      %swap3A_117 = vector.shape_cast %swap3A_116 : vector<16xf32> to vector<16xf32>
      %swap3A_118 = vector.shape_cast %broadcast_in_dim3A_110 : vector<16xf32> to vector<16xf32>
      tpu.vector_store %arg5[%swap3A_115], %swap3A_118 {strides = array<i32>} : memref<16384xf32, #tpu.memory_space<vmem>>, vector<16xf32>,
      %broadcast_in_dim3A_119 = arith.constant 1.000000e+00 : f32
      %broadcast_in_dim3A_120 = vector.broadcast %broadcast_in_dim3A_119 : f32 to vector<16xf32>
      %mul3A_121 = arith.constant 128 : i32
      %mul3A_122 = arith.muli %scan3A_50, %mul3A_121 : i32
      %add3A_123 = arith.constant 112 : i32
      %add3A_124 = arith.addi %mul3A_122, %add3A_123 : i32
      %swap3A_125 = arith.index_cast %add3A_124 : i32 to index
      %swap3A_126 = tpu.vector_load %arg5[%swap3A_125] {strides = array<i32>} : memref<16384xf32, #tpu.memory_space<vmem>>, vector<16xf32>,
      %swap3A_127 = vector.shape_cast %swap3A_126 : vector<16xf32> to vector<16xf32>
      %swap3A_128 = vector.shape_cast %broadcast_in_dim3A_120 : vector<16xf32> to vector<16xf32>
      tpu.vector_store %arg5[%swap3A_125], %swap3A_128 {strides = array<i32>} : memref<16384xf32, #tpu.memory_space<vmem>>, vector<16xf32>,
    }
    %scan3A_4 = arith.constant 128 : i32
    %scan3A_5 = arith.constant 0 : i32
    %scan3A_6 = arith.constant 0 : i32
    %scan3A_7 = arith.constant 75 : i32
    %scan3A_8 = arith.addi %scan3A_6, %scan3A_7 : i32
    %scan3A_9 = arith.constant 1 : i32
    scf.for %scan3A_50 = %scan3A_6 to %scan3A_8 step %scan3A_9  : i32 {
      %broadcast_in_dim3A = arith.constant 0.000000e+00 : f32
      %broadcast_in_dim3A_51 = vector.broadcast %broadcast_in_dim3A : f32 to vector<16xf32>
      %mul3A_52 = arith.constant 128 : i32
      %mul3A_53 = arith.muli %scan3A_50, %mul3A_52 : i32
      %add3A_54 = arith.constant 0 : i32
      %add3A_55 = arith.addi %mul3A_53, %add3A_54 : i32
      %swap3A = arith.index_cast %add3A_55 : i32 to index
      %swap3A_56 = tpu.vector_load %arg6[%swap3A] {strides = array<i32>} : memref<9616xf32, #tpu.memory_space<vmem>>, vector<16xf32>,
      %swap3A_57 = vector.shape_cast %swap3A_56 : vector<16xf32> to vector<16xf32>
      %swap3A_58 = vector.shape_cast %broadcast_in_dim3A_51 : vector<16xf32> to vector<16xf32>
      tpu.vector_store %arg6[%swap3A], %swap3A_58 {strides = array<i32>} : memref<9616xf32, #tpu.memory_space<vmem>>, vector<16xf32>,
      %broadcast_in_dim3A_59 = arith.constant 0.000000e+00 : f32
      %broadcast_in_dim3A_60 = vector.broadcast %broadcast_in_dim3A_59 : f32 to vector<16xf32>
      %mul3A_61 = arith.constant 128 : i32
      %mul3A_62 = arith.muli %scan3A_50, %mul3A_61 : i32
      %add3A_63 = arith.constant 16 : i32
      %add3A_64 = arith.addi %mul3A_62, %add3A_63 : i32
      %swap3A_65 = arith.index_cast %add3A_64 : i32 to index
      %swap3A_66 = tpu.vector_load %arg6[%swap3A_65] {strides = array<i32>} : memref<9616xf32, #tpu.memory_space<vmem>>, vector<16xf32>,
      %swap3A_67 = vector.shape_cast %swap3A_66 : vector<16xf32> to vector<16xf32>
      %swap3A_68 = vector.shape_cast %broadcast_in_dim3A_60 : vector<16xf32> to vector<16xf32>
      tpu.vector_store %arg6[%swap3A_65], %swap3A_68 {strides = array<i32>} : memref<9616xf32, #tpu.memory_space<vmem>>, vector<16xf32>,
      %broadcast_in_dim3A_69 = arith.constant 0.000000e+00 : f32
      %broadcast_in_dim3A_70 = vector.broadcast %broadcast_in_dim3A_69 : f32 to vector<16xf32>
      %mul3A_71 = arith.constant 128 : i32
      %mul3A_72 = arith.muli %scan3A_50, %mul3A_71 : i32
      %add3A_73 = arith.constant 32 : i32
      %add3A_74 = arith.addi %mul3A_72, %add3A_73 : i32
      %swap3A_75 = arith.index_cast %add3A_74 : i32 to index
      %swap3A_76 = tpu.vector_load %arg6[%swap3A_75] {strides = array<i32>} : memref<9616xf32, #tpu.memory_space<vmem>>, vector<16xf32>,
      %swap3A_77 = vector.shape_cast %swap3A_76 : vector<16xf32> to vector<16xf32>
      %swap3A_78 = vector.shape_cast %broadcast_in_dim3A_70 : vector<16xf32> to vector<16xf32>
      tpu.vector_store %arg6[%swap3A_75], %swap3A_78 {strides = array<i32>} : memref<9616xf32, #tpu.memory_space<vmem>>, vector<16xf32>,
      %broadcast_in_dim3A_79 = arith.constant 0.000000e+00 : f32
      %broadcast_in_dim3A_80 = vector.broadcast %broadcast_in_dim3A_79 : f32 to vector<16xf32>
      %mul3A_81 = arith.constant 128 : i32
      %mul3A_82 = arith.muli %scan3A_50, %mul3A_81 : i32
      %add3A_83 = arith.constant 48 : i32
      %add3A_84 = arith.addi %mul3A_82, %add3A_83 : i32
      %swap3A_85 = arith.index_cast %add3A_84 : i32 to index
      %swap3A_86 = tpu.vector_load %arg6[%swap3A_85] {strides = array<i32>} : memref<9616xf32, #tpu.memory_space<vmem>>, vector<16xf32>,
      %swap3A_87 = vector.shape_cast %swap3A_86 : vector<16xf32> to vector<16xf32>
      %swap3A_88 = vector.shape_cast %broadcast_in_dim3A_80 : vector<16xf32> to vector<16xf32>
      tpu.vector_store %arg6[%swap3A_85], %swap3A_88 {strides = array<i32>} : memref<9616xf32, #tpu.memory_space<vmem>>, vector<16xf32>,
      %broadcast_in_dim3A_89 = arith.constant 0.000000e+00 : f32
      %broadcast_in_dim3A_90 = vector.broadcast %broadcast_in_dim3A_89 : f32 to vector<16xf32>
      %mul3A_91 = arith.constant 128 : i32
      %mul3A_92 = arith.muli %scan3A_50, %mul3A_91 : i32
      %add3A_93 = arith.constant 64 : i32
      %add3A_94 = arith.addi %mul3A_92, %add3A_93 : i32
      %swap3A_95 = arith.index_cast %add3A_94 : i32 to index
      %swap3A_96 = tpu.vector_load %arg6[%swap3A_95] {strides = array<i32>} : memref<9616xf32, #tpu.memory_space<vmem>>, vector<16xf32>,
      %swap3A_97 = vector.shape_cast %swap3A_96 : vector<16xf32> to vector<16xf32>
      %swap3A_98 = vector.shape_cast %broadcast_in_dim3A_90 : vector<16xf32> to vector<16xf32>
      tpu.vector_store %arg6[%swap3A_95], %swap3A_98 {strides = array<i32>} : memref<9616xf32, #tpu.memory_space<vmem>>, vector<16xf32>,
      %broadcast_in_dim3A_99 = arith.constant 0.000000e+00 : f32
      %broadcast_in_dim3A_100 = vector.broadcast %broadcast_in_dim3A_99 : f32 to vector<16xf32>
      %mul3A_101 = arith.constant 128 : i32
      %mul3A_102 = arith.muli %scan3A_50, %mul3A_101 : i32
      %add3A_103 = arith.constant 80 : i32
      %add3A_104 = arith.addi %mul3A_102, %add3A_103 : i32
      %swap3A_105 = arith.index_cast %add3A_104 : i32 to index
      %swap3A_106 = tpu.vector_load %arg6[%swap3A_105] {strides = array<i32>} : memref<9616xf32, #tpu.memory_space<vmem>>, vector<16xf32>,
      %swap3A_107 = vector.shape_cast %swap3A_106 : vector<16xf32> to vector<16xf32>
      %swap3A_108 = vector.shape_cast %broadcast_in_dim3A_100 : vector<16xf32> to vector<16xf32>
      tpu.vector_store %arg6[%swap3A_105], %swap3A_108 {strides = array<i32>} : memref<9616xf32, #tpu.memory_space<vmem>>, vector<16xf32>,
      %broadcast_in_dim3A_109 = arith.constant 0.000000e+00 : f32
      %broadcast_in_dim3A_110 = vector.broadcast %broadcast_in_dim3A_109 : f32 to vector<16xf32>
      %mul3A_111 = arith.constant 128 : i32
      %mul3A_112 = arith.muli %scan3A_50, %mul3A_111 : i32
      %add3A_113 = arith.constant 96 : i32
      %add3A_114 = arith.addi %mul3A_112, %add3A_113 : i32
      %swap3A_115 = arith.index_cast %add3A_114 : i32 to index
      %swap3A_116 = tpu.vector_load %arg6[%swap3A_115] {strides = array<i32>} : memref<9616xf32, #tpu.memory_space<vmem>>, vector<16xf32>,
      %swap3A_117 = vector.shape_cast %swap3A_116 : vector<16xf32> to vector<16xf32>
      %swap3A_118 = vector.shape_cast %broadcast_in_dim3A_110 : vector<16xf32> to vector<16xf32>
      tpu.vector_store %arg6[%swap3A_115], %swap3A_118 {strides = array<i32>} : memref<9616xf32, #tpu.memory_space<vmem>>, vector<16xf32>,
      %broadcast_in_dim3A_119 = arith.constant 0.000000e+00 : f32
      %broadcast_in_dim3A_120 = vector.broadcast %broadcast_in_dim3A_119 : f32 to vector<16xf32>
      %mul3A_121 = arith.constant 128 : i32
      %mul3A_122 = arith.muli %scan3A_50, %mul3A_121 : i32
      %add3A_123 = arith.constant 112 : i32
      %add3A_124 = arith.addi %mul3A_122, %add3A_123 : i32
      %swap3A_125 = arith.index_cast %add3A_124 : i32 to index
      %swap3A_126 = tpu.vector_load %arg6[%swap3A_125] {strides = array<i32>} : memref<9616xf32, #tpu.memory_space<vmem>>, vector<16xf32>,
      %swap3A_127 = vector.shape_cast %swap3A_126 : vector<16xf32> to vector<16xf32>
      %swap3A_128 = vector.shape_cast %broadcast_in_dim3A_120 : vector<16xf32> to vector<16xf32>
      tpu.vector_store %arg6[%swap3A_125], %swap3A_128 {strides = array<i32>} : memref<9616xf32, #tpu.memory_space<vmem>>, vector<16xf32>,
    }
    %scan3A_10 = arith.constant 75 : i32
    %mul3A = arith.constant 2 : i32
    %mul3A_11 = arith.muli %arg0, %mul3A : i32
    %add3A = arith.constant 0 : i32
    %add3A_12 = arith.addi %mul3A_11, %add3A : i32
    %mul3A_13 = arith.constant 262144 : i32
    %mul3A_14 = arith.muli %add3A_12, %mul3A_13 : i32
    %mul3A_15 = arith.constant 16384 : i32
    %mul3A_16 = arith.muli %arg1, %mul3A_15 : i32
    %add3A_17 = arith.addi %mul3A_14, %mul3A_16 : i32
    "tpu.region"() ({
      %run_scoped3A = tpu.sem_alloc : memref<!tpu.dma_semaphore, #tpu.memory_space<semaphore_mem>>
      %dma_start3A = tpu.memref_slice %arg2[%add3A_17] : memref<1048576xi32, #tpu.memory_space<hbm>> -> memref<16384xi32, #tpu.memory_space<hbm>>
      %dma_start3A_50 = tpu.memref_slice %arg2[%add3A_17] : memref<1048576xi32, #tpu.memory_space<hbm>> -> memref<16384xi32, #tpu.memory_space<hbm>>
      tpu.enqueue_dma source(%dma_start3A_50 : memref<16384xi32, #tpu.memory_space<hbm>>) target(%arg4 : memref<16384xi32, #tpu.memory_space<vmem>>) target_semaphore(%run_scoped3A : memref<!tpu.dma_semaphore, #tpu.memory_space<semaphore_mem>>)
      %dma_wait3A = tpu.memref_slice %arg2[%add3A_17] : memref<1048576xi32, #tpu.memory_space<hbm>> -> memref<16384xi32, #tpu.memory_space<hbm>>
      %dma_wait3A_51 = tpu.memref_slice %arg2[%add3A_17] : memref<1048576xi32, #tpu.memory_space<hbm>> -> memref<16384xi32, #tpu.memory_space<hbm>>
      tpu.wait_dma2 semaphore(%run_scoped3A : memref<!tpu.dma_semaphore, #tpu.memory_space<semaphore_mem>>) src(%dma_wait3A_51 : memref<16384xi32, #tpu.memory_space<hbm>>) dst(%arg4 : memref<16384xi32, #tpu.memory_space<vmem>>)
      tpu.yield
    }) : () -> ()
    %mul3A_18 = arith.constant 9616 : i32
    %mul3A_19 = arith.muli %arg1, %mul3A_18 : i32
    "tpu.region"() ({
      %run_scoped3A = tpu.sem_alloc : memref<!tpu.dma_semaphore, #tpu.memory_space<semaphore_mem>>
      %dma_start3A = tpu.memref_slice %arg7[%mul3A_19] : memref<153856xf32, #tpu.memory_space<vmem_shared>> -> memref<9616xf32, #tpu.memory_space<vmem_shared>>
      %dma_start3A_50 = tpu.memref_slice %arg7[%mul3A_19] : memref<153856xf32, #tpu.memory_space<vmem_shared>> -> memref<9616xf32, #tpu.memory_space<vmem_shared>>
      tpu.enqueue_dma source(%arg6 : memref<9616xf32, #tpu.memory_space<vmem>>) target(%dma_start3A_50 : memref<9616xf32, #tpu.memory_space<vmem_shared>>) target_semaphore(%run_scoped3A : memref<!tpu.dma_semaphore, #tpu.memory_space<semaphore_mem>>)
      %dma_wait3A = tpu.memref_slice %arg7[%mul3A_19] : memref<153856xf32, #tpu.memory_space<vmem_shared>> -> memref<9616xf32, #tpu.memory_space<vmem_shared>>
      %dma_wait3A_51 = tpu.memref_slice %arg7[%mul3A_19] : memref<153856xf32, #tpu.memory_space<vmem_shared>> -> memref<9616xf32, #tpu.memory_space<vmem_shared>>
      tpu.wait_dma2 semaphore(%run_scoped3A : memref<!tpu.dma_semaphore, #tpu.memory_space<semaphore_mem>>) src(%arg6 : memref<9616xf32, #tpu.memory_space<vmem>>) dst(%dma_wait3A_51 : memref<9616xf32, #tpu.memory_space<vmem_shared>>)
      tpu.yield
    }) : () -> ()
    %barrier3A = arith.constant 0 : index
    tpu.barrier barrier_id(%barrier3A)
    "tpu.region"() ({
      %run_scoped3A = tpu.sem_alloc : memref<!tpu.dma_semaphore, #tpu.memory_space<semaphore_mem>>
      %dma_start3A = arith.constant 0 : i32
      %dma_start3A_50 = tpu.memref_slice %arg7[%dma_start3A] : memref<153856xf32, #tpu.memory_space<vmem_shared>> -> memref<153856xf32, #tpu.memory_space<vmem_shared>>
      tpu.enqueue_indirect_dma source(%arg5 : memref<16384xf32, #tpu.memory_space<vmem>>) target(%dma_start3A_50 : memref<153856xf32, #tpu.memory_space<vmem_shared>>) offsets(%arg4 : memref<16384xi32, #tpu.memory_space<vmem>>) semaphore(%run_scoped3A : memref<!tpu.dma_semaphore, #tpu.memory_space<semaphore_mem>>) {add = true}
      %dma_wait3A = arith.constant 0 : i32
      %dma_wait3A_51 = tpu.memref_slice %arg7[%dma_wait3A] : memref<153856xf32, #tpu.memory_space<vmem_shared>> -> memref<153856xf32, #tpu.memory_space<vmem_shared>>
      tpu.wait_indirect_dma semaphore(%run_scoped3A : memref<!tpu.dma_semaphore, #tpu.memory_space<semaphore_mem>>) src(%arg5 : memref<16384xf32, #tpu.memory_space<vmem>>) dst(%dma_wait3A_51 : memref<153856xf32, #tpu.memory_space<vmem_shared>>)
      tpu.yield
    }) : () -> ()
    %barrier3A_20 = arith.constant 0 : index
    tpu.barrier barrier_id(%barrier3A_20)
    %mul3A_21 = arith.constant 9600 : i32
    %mul3A_22 = arith.muli %arg1, %mul3A_21 : i32
    %mul3A_23 = arith.constant 153600 : i32
    %mul3A_24 = arith.muli %add3A_12, %mul3A_23 : i32
    %mul3A_25 = arith.constant 9600 : i32
    %mul3A_26 = arith.muli %arg1, %mul3A_25 : i32
    %add3A_27 = arith.addi %mul3A_24, %mul3A_26 : i32
    "tpu.region"() ({
      %run_scoped3A = tpu.sem_alloc : memref<!tpu.dma_semaphore, #tpu.memory_space<semaphore_mem>>
      %dma_start3A = tpu.memref_slice %arg3[%add3A_27] : memref<614400xf32, #tpu.memory_space<hbm>> -> memref<9600xf32, #tpu.memory_space<hbm>>
      %dma_start3A_50 = tpu.memref_slice %arg7[%mul3A_22] : memref<153856xf32, #tpu.memory_space<vmem_shared>> -> memref<9600xf32, #tpu.memory_space<vmem_shared>>
      tpu.enqueue_dma source(%dma_start3A_50 : memref<9600xf32, #tpu.memory_space<vmem_shared>>) target(%dma_start3A : memref<9600xf32, #tpu.memory_space<hbm>>) target_semaphore(%run_scoped3A : memref<!tpu.dma_semaphore, #tpu.memory_space<semaphore_mem>>)
      %dma_wait3A = tpu.memref_slice %arg3[%add3A_27] : memref<614400xf32, #tpu.memory_space<hbm>> -> memref<9600xf32, #tpu.memory_space<hbm>>
      %dma_wait3A_51 = tpu.memref_slice %arg7[%mul3A_22] : memref<153856xf32, #tpu.memory_space<vmem_shared>> -> memref<9600xf32, #tpu.memory_space<vmem_shared>>
      tpu.wait_dma2 semaphore(%run_scoped3A : memref<!tpu.dma_semaphore, #tpu.memory_space<semaphore_mem>>) src(%dma_wait3A_51 : memref<9600xf32, #tpu.memory_space<vmem_shared>>) dst(%dma_wait3A : memref<9600xf32, #tpu.memory_space<hbm>>)
      tpu.yield
    }) : () -> ()
    %barrier3A_28 = arith.constant 0 : index
    tpu.barrier barrier_id(%barrier3A_28)
    %mul3A_29 = arith.constant 2 : i32
    %mul3A_30 = arith.muli %arg0, %mul3A_29 : i32
    %add3A_31 = arith.constant 1 : i32
    %add3A_32 = arith.addi %mul3A_30, %add3A_31 : i32
    %mul3A_33 = arith.constant 262144 : i32
    %mul3A_34 = arith.muli %add3A_32, %mul3A_33 : i32
    %mul3A_35 = arith.constant 16384 : i32
    %mul3A_36 = arith.muli %arg1, %mul3A_35 : i32
    %add3A_37 = arith.addi %mul3A_34, %mul3A_36 : i32
    "tpu.region"() ({
      %run_scoped3A = tpu.sem_alloc : memref<!tpu.dma_semaphore, #tpu.memory_space<semaphore_mem>>
      %dma_start3A = tpu.memref_slice %arg2[%add3A_37] : memref<1048576xi32, #tpu.memory_space<hbm>> -> memref<16384xi32, #tpu.memory_space<hbm>>
      %dma_start3A_50 = tpu.memref_slice %arg2[%add3A_37] : memref<1048576xi32, #tpu.memory_space<hbm>> -> memref<16384xi32, #tpu.memory_space<hbm>>
      tpu.enqueue_dma source(%dma_start3A_50 : memref<16384xi32, #tpu.memory_space<hbm>>) target(%arg4 : memref<16384xi32, #tpu.memory_space<vmem>>) target_semaphore(%run_scoped3A : memref<!tpu.dma_semaphore, #tpu.memory_space<semaphore_mem>>)
      %dma_wait3A = tpu.memref_slice %arg2[%add3A_37] : memref<1048576xi32, #tpu.memory_space<hbm>> -> memref<16384xi32, #tpu.memory_space<hbm>>
      %dma_wait3A_51 = tpu.memref_slice %arg2[%add3A_37] : memref<1048576xi32, #tpu.memory_space<hbm>> -> memref<16384xi32, #tpu.memory_space<hbm>>
      tpu.wait_dma2 semaphore(%run_scoped3A : memref<!tpu.dma_semaphore, #tpu.memory_space<semaphore_mem>>) src(%dma_wait3A_51 : memref<16384xi32, #tpu.memory_space<hbm>>) dst(%arg4 : memref<16384xi32, #tpu.memory_space<vmem>>)
      tpu.yield
    }) : () -> ()
    %mul3A_38 = arith.constant 9616 : i32
    %mul3A_39 = arith.muli %arg1, %mul3A_38 : i32
    "tpu.region"() ({
      %run_scoped3A = tpu.sem_alloc : memref<!tpu.dma_semaphore, #tpu.memory_space<semaphore_mem>>
      %dma_start3A = tpu.memref_slice %arg7[%mul3A_39] : memref<153856xf32, #tpu.memory_space<vmem_shared>> -> memref<9616xf32, #tpu.memory_space<vmem_shared>>
      %dma_start3A_50 = tpu.memref_slice %arg7[%mul3A_39] : memref<153856xf32, #tpu.memory_space<vmem_shared>> -> memref<9616xf32, #tpu.memory_space<vmem_shared>>
      tpu.enqueue_dma source(%arg6 : memref<9616xf32, #tpu.memory_space<vmem>>) target(%dma_start3A_50 : memref<9616xf32, #tpu.memory_space<vmem_shared>>) target_semaphore(%run_scoped3A : memref<!tpu.dma_semaphore, #tpu.memory_space<semaphore_mem>>)
      %dma_wait3A = tpu.memref_slice %arg7[%mul3A_39] : memref<153856xf32, #tpu.memory_space<vmem_shared>> -> memref<9616xf32, #tpu.memory_space<vmem_shared>>
      %dma_wait3A_51 = tpu.memref_slice %arg7[%mul3A_39] : memref<153856xf32, #tpu.memory_space<vmem_shared>> -> memref<9616xf32, #tpu.memory_space<vmem_shared>>
      tpu.wait_dma2 semaphore(%run_scoped3A : memref<!tpu.dma_semaphore, #tpu.memory_space<semaphore_mem>>) src(%arg6 : memref<9616xf32, #tpu.memory_space<vmem>>) dst(%dma_wait3A_51 : memref<9616xf32, #tpu.memory_space<vmem_shared>>)
      tpu.yield
    }) : () -> ()
    %barrier3A_40 = arith.constant 0 : index
    tpu.barrier barrier_id(%barrier3A_40)
    "tpu.region"() ({
      %run_scoped3A = tpu.sem_alloc : memref<!tpu.dma_semaphore, #tpu.memory_space<semaphore_mem>>
      %dma_start3A = arith.constant 0 : i32
      %dma_start3A_50 = tpu.memref_slice %arg7[%dma_start3A] : memref<153856xf32, #tpu.memory_space<vmem_shared>> -> memref<153856xf32, #tpu.memory_space<vmem_shared>>
      tpu.enqueue_indirect_dma source(%arg5 : memref<16384xf32, #tpu.memory_space<vmem>>) target(%dma_start3A_50 : memref<153856xf32, #tpu.memory_space<vmem_shared>>) offsets(%arg4 : memref<16384xi32, #tpu.memory_space<vmem>>) semaphore(%run_scoped3A : memref<!tpu.dma_semaphore, #tpu.memory_space<semaphore_mem>>) {add = true}
      %dma_wait3A = arith.constant 0 : i32
      %dma_wait3A_51 = tpu.memref_slice %arg7[%dma_wait3A] : memref<153856xf32, #tpu.memory_space<vmem_shared>> -> memref<153856xf32, #tpu.memory_space<vmem_shared>>
      tpu.wait_indirect_dma semaphore(%run_scoped3A : memref<!tpu.dma_semaphore, #tpu.memory_space<semaphore_mem>>) src(%arg5 : memref<16384xf32, #tpu.memory_space<vmem>>) dst(%dma_wait3A_51 : memref<153856xf32, #tpu.memory_space<vmem_shared>>)
      tpu.yield
    }) : () -> ()
    %barrier3A_41 = arith.constant 0 : index
    tpu.barrier barrier_id(%barrier3A_41)
    %mul3A_42 = arith.constant 9600 : i32
    %mul3A_43 = arith.muli %arg1, %mul3A_42 : i32
    %mul3A_44 = arith.constant 153600 : i32
    %mul3A_45 = arith.muli %add3A_32, %mul3A_44 : i32
    %mul3A_46 = arith.constant 9600 : i32
    %mul3A_47 = arith.muli %arg1, %mul3A_46 : i32
    %add3A_48 = arith.addi %mul3A_45, %mul3A_47 : i32
    "tpu.region"() ({
      %run_scoped3A = tpu.sem_alloc : memref<!tpu.dma_semaphore, #tpu.memory_space<semaphore_mem>>
      %dma_start3A = tpu.memref_slice %arg3[%add3A_48] : memref<614400xf32, #tpu.memory_space<hbm>> -> memref<9600xf32, #tpu.memory_space<hbm>>
      %dma_start3A_50 = tpu.memref_slice %arg7[%mul3A_43] : memref<153856xf32, #tpu.memory_space<vmem_shared>> -> memref<9600xf32, #tpu.memory_space<vmem_shared>>
      tpu.enqueue_dma source(%dma_start3A_50 : memref<9600xf32, #tpu.memory_space<vmem_shared>>) target(%dma_start3A : memref<9600xf32, #tpu.memory_space<hbm>>) target_semaphore(%run_scoped3A : memref<!tpu.dma_semaphore, #tpu.memory_space<semaphore_mem>>)
      %dma_wait3A = tpu.memref_slice %arg3[%add3A_48] : memref<614400xf32, #tpu.memory_space<hbm>> -> memref<9600xf32, #tpu.memory_space<hbm>>
      %dma_wait3A_51 = tpu.memref_slice %arg7[%mul3A_43] : memref<153856xf32, #tpu.memory_space<vmem_shared>> -> memref<9600xf32, #tpu.memory_space<vmem_shared>>
      tpu.wait_dma2 semaphore(%run_scoped3A : memref<!tpu.dma_semaphore, #tpu.memory_space<semaphore_mem>>) src(%dma_wait3A_51 : memref<9600xf32, #tpu.memory_space<vmem_shared>>) dst(%dma_wait3A : memref<9600xf32, #tpu.memory_space<hbm>>)
      tpu.yield
    }) : () -> ()
    %barrier3A_49 = arith.constant 0 : index
    tpu.barrier barrier_id(%barrier3A_49)
    return
  }
}

module attributes {stable_mosaic.version = 14 : i64} {
  func.func @body(%arg0: i32, %arg1: memref<8x256x128xf32, #tpu.memory_space<vmem>>, %arg2: memref<8x1x1xf32, #tpu.memory_space<vmem>>, %arg3: memref<8x1x1xf32, #tpu.memory_space<vmem>>) attributes {dimension_semantics = [#tpu.dimension_semantics<arbitrary>], iteration_bounds = array<i64: 8>, scalar_prefetch = 0 : i64, scratch_operands = 0 : i64, tpu.core_type = #tpu.core_type<tc>, window_params = [{transform_indices = @transform_0, window_bounds = array<i64: 8, 256, 128>}, {pipeline_mode = #tpu.pipeline_mode<synchronous>, transform_indices = @transform_1, window_bounds = array<i64: 8, 1, 1>}, {pipeline_mode = #tpu.pipeline_mode<synchronous>, transform_indices = @transform_2, window_bounds = array<i64: 8, 1, 1>}]} {
    %get3A = arith.constant 0 : index
    %get3A_0 = arith.constant 0 : index
    %get3A_1 = arith.constant 0 : index
    %get3A_2 = vector.load %arg1[%get3A, %get3A_0, %get3A_1] : memref<8x256x128xf32, #tpu.memory_space<vmem>>, vector<8x256x128xf32>
    %reduce_min3A = arith.constant dense<0x7F800000> : vector<8xf32>
    %reduce_min3A_3 = vector.multi_reduction <minimumf>, %get3A_2, %reduce_min3A [1, 2] : vector<8x256x128xf32> to vector<8xf32>
    %broadcast_in_dim3A = vector.shape_cast %reduce_min3A_3 : vector<8xf32> to vector<8x1x1xf32>
    %reduce_max3A = arith.constant dense<0xFF800000> : vector<8xf32>
    %reduce_max3A_4 = vector.multi_reduction <maximumf>, %get3A_2, %reduce_max3A [1, 2] : vector<8x256x128xf32> to vector<8xf32>
    %broadcast_in_dim3A_5 = vector.shape_cast %reduce_max3A_4 : vector<8xf32> to vector<8x1x1xf32>
    %eq3A = arith.constant 0 : i32
    %eq3A_6 = arith.cmpi eq, %arg0, %eq3A : i32
    %convert_element_type3A = arith.extui %eq3A_6 : i1 to i32
    %cond3A = arith.constant 0 : i32
    %cond3A_7 = arith.cmpi ne, %convert_element_type3A, %cond3A : i32
    scf.if %cond3A_7 {
      %swap3A = arith.constant 0 : index
      %swap3A_12 = arith.constant 0 : index
      %swap3A_13 = arith.constant 0 : index
      %swap3A_14 = vector.load %arg2[%swap3A, %swap3A_12, %swap3A_13] : memref<8x1x1xf32, #tpu.memory_space<vmem>>, vector<8x1x1xf32>
      tpu.vector_store %arg2[%swap3A, %swap3A_12, %swap3A_13], %broadcast_in_dim3A {strides = array<i32>} : memref<8x1x1xf32, #tpu.memory_space<vmem>>, vector<8x1x1xf32>,
      %swap3A_15 = arith.constant 0 : index
      %swap3A_16 = arith.constant 0 : index
      %swap3A_17 = arith.constant 0 : index
      %swap3A_18 = vector.load %arg3[%swap3A_15, %swap3A_16, %swap3A_17] : memref<8x1x1xf32, #tpu.memory_space<vmem>>, vector<8x1x1xf32>
      tpu.vector_store %arg3[%swap3A_15, %swap3A_16, %swap3A_17], %broadcast_in_dim3A_5 {strides = array<i32>} : memref<8x1x1xf32, #tpu.memory_space<vmem>>, vector<8x1x1xf32>,
    } else {
    }
    %ne3A = arith.constant 0 : i32
    %ne3A_8 = arith.cmpi ne, %arg0, %ne3A : i32
    %convert_element_type3A_9 = arith.extui %ne3A_8 : i1 to i32
    %cond3A_10 = arith.constant 0 : i32
    %cond3A_11 = arith.cmpi ne, %convert_element_type3A_9, %cond3A_10 : i32
    scf.if %cond3A_11 {
      %get3A_12 = arith.constant 0 : index
      %get3A_13 = arith.constant 0 : index
      %get3A_14 = arith.constant 0 : index
      %get3A_15 = vector.load %arg2[%get3A_12, %get3A_13, %get3A_14] : memref<8x1x1xf32, #tpu.memory_space<vmem>>, vector<8x1x1xf32>
      %min3A = arith.minimumf %get3A_15, %broadcast_in_dim3A : vector<8x1x1xf32>
      %swap3A = arith.constant 0 : index
      %swap3A_16 = arith.constant 0 : index
      %swap3A_17 = arith.constant 0 : index
      %swap3A_18 = vector.load %arg2[%swap3A, %swap3A_16, %swap3A_17] : memref<8x1x1xf32, #tpu.memory_space<vmem>>, vector<8x1x1xf32>
      tpu.vector_store %arg2[%swap3A, %swap3A_16, %swap3A_17], %min3A {strides = array<i32>} : memref<8x1x1xf32, #tpu.memory_space<vmem>>, vector<8x1x1xf32>,
      %get3A_19 = arith.constant 0 : index
      %get3A_20 = arith.constant 0 : index
      %get3A_21 = arith.constant 0 : index
      %get3A_22 = vector.load %arg3[%get3A_19, %get3A_20, %get3A_21] : memref<8x1x1xf32, #tpu.memory_space<vmem>>, vector<8x1x1xf32>
      %max3A = arith.maximumf %get3A_22, %broadcast_in_dim3A_5 : vector<8x1x1xf32>
      %swap3A_23 = arith.constant 0 : index
      %swap3A_24 = arith.constant 0 : index
      %swap3A_25 = arith.constant 0 : index
      %swap3A_26 = vector.load %arg3[%swap3A_23, %swap3A_24, %swap3A_25] : memref<8x1x1xf32, #tpu.memory_space<vmem>>, vector<8x1x1xf32>
      tpu.vector_store %arg3[%swap3A_23, %swap3A_24, %swap3A_25], %max3A {strides = array<i32>} : memref<8x1x1xf32, #tpu.memory_space<vmem>>, vector<8x1x1xf32>,
    } else {
    }
    return
  }
  func.func @transform_0(%arg0: i32) -> (i32, i32, i32) {
    %c0_i32 = arith.constant 0 : i32
    %c0_i32_0 = arith.constant 0 : i32
    %c0_i32_1 = arith.constant 0 : i32
    return %c0_i32, %arg0, %c0_i32_0 : i32, i32, i32
  }
  func.func @transform_1(%arg0: i32) -> (i32, i32, i32) {
    %c0_i32 = arith.constant 0 : i32
    %c0_i32_0 = arith.constant 0 : i32
    %c0_i32_1 = arith.constant 0 : i32
    %c0_i32_2 = arith.constant 0 : i32
    return %c0_i32, %c0_i32_0, %c0_i32_1 : i32, i32, i32
  }
  func.func @transform_2(%arg0: i32) -> (i32, i32, i32) {
    %c0_i32 = arith.constant 0 : i32
    %c0_i32_0 = arith.constant 0 : i32
    %c0_i32_1 = arith.constant 0 : i32
    %c0_i32_2 = arith.constant 0 : i32
    return %c0_i32, %c0_i32_0, %c0_i32_1 : i32, i32, i32
  }
}

module attributes {stable_mosaic.version = 14 : i64} {
  func.func @body(%arg0: i32, %arg1: memref<4x256x128xf32, #tpu.memory_space<vmem>>, %arg2: memref<4x256x128xf32, #tpu.memory_space<vmem>>, %arg3: memref<4x256x128xf32, #tpu.memory_space<vmem>>, %arg4: memref<4x1x1xf32, #tpu.memory_space<vmem>>, %arg5: memref<4x1x1xf32, #tpu.memory_space<vmem>>, %arg6: memref<4x256x128xi32, #tpu.memory_space<vmem>>) attributes {dimension_semantics = [#tpu.dimension_semantics<arbitrary>], iteration_bounds = array<i64: 8>, scalar_prefetch = 0 : i64, scratch_operands = 0 : i64, tpu.core_type = #tpu.core_type<tc>, window_params = [{transform_indices = @transform_0, window_bounds = array<i64: 4, 256, 128>}, {transform_indices = @transform_1, window_bounds = array<i64: 4, 256, 128>}, {transform_indices = @transform_2, window_bounds = array<i64: 4, 256, 128>}, {transform_indices = @transform_3, window_bounds = array<i64: 4, 1, 1>}, {transform_indices = @transform_4, window_bounds = array<i64: 4, 1, 1>}, {transform_indices = @transform_5, window_bounds = array<i64: 4, 256, 128>}]} {
    %get3A = arith.constant 0 : index
    %get3A_0 = arith.constant 0 : index
    %get3A_1 = arith.constant 0 : index
    %get3A_2 = vector.load %arg1[%get3A, %get3A_0, %get3A_1] : memref<4x256x128xf32, #tpu.memory_space<vmem>>, vector<4x256x128xf32>
    %get3A_3 = arith.constant 0 : index
    %get3A_4 = arith.constant 0 : index
    %get3A_5 = arith.constant 0 : index
    %get3A_6 = vector.load %arg2[%get3A_3, %get3A_4, %get3A_5] : memref<4x256x128xf32, #tpu.memory_space<vmem>>, vector<4x256x128xf32>
    %get3A_7 = arith.constant 0 : index
    %get3A_8 = arith.constant 0 : index
    %get3A_9 = arith.constant 0 : index
    %get3A_10 = vector.load %arg3[%get3A_7, %get3A_8, %get3A_9] : memref<4x256x128xf32, #tpu.memory_space<vmem>>, vector<4x256x128xf32>
    %get3A_11 = arith.constant 0 : index
    %get3A_12 = arith.constant 0 : index
    %get3A_13 = arith.constant 0 : index
    %get3A_14 = vector.load %arg4[%get3A_11, %get3A_12, %get3A_13] : memref<4x1x1xf32, #tpu.memory_space<vmem>>, vector<4x1x1xf32>
    %get3A_15 = arith.constant 0 : index
    %get3A_16 = arith.constant 0 : index
    %get3A_17 = arith.constant 0 : index
    %get3A_18 = vector.load %arg5[%get3A_15, %get3A_16, %get3A_17] : memref<4x1x1xf32, #tpu.memory_space<vmem>>, vector<4x1x1xf32>
    %sub3A = arith.constant -1.000000e+00 : f32
    %sub3A_19 = vector.broadcast %sub3A : f32 to vector<4x256x128xf32>
    %sub3A_20 = arith.subf %get3A_2, %sub3A_19 : vector<4x256x128xf32>
    %div3A = arith.constant 2.00000095 : f32
    %div3A_21 = vector.broadcast %div3A : f32 to vector<4x256x128xf32>
    %div3A_22 = arith.divf %sub3A_20, %div3A_21 : vector<4x256x128xf32>
    %mul3A = arith.constant 1.590000e+02 : f32
    %mul3A_23 = vector.broadcast %mul3A : f32 to vector<4x256x128xf32>
    %mul3A_24 = arith.mulf %div3A_22, %mul3A_23 : vector<4x256x128xf32>
    %sub3A_25 = arith.constant -1.000000e+00 : f32
    %sub3A_26 = vector.broadcast %sub3A_25 : f32 to vector<4x256x128xf32>
    %sub3A_27 = arith.subf %get3A_6, %sub3A_26 : vector<4x256x128xf32>
    %div3A_28 = arith.constant 2.00000095 : f32
    %div3A_29 = vector.broadcast %div3A_28 : f32 to vector<4x256x128xf32>
    %div3A_30 = arith.divf %sub3A_27, %div3A_29 : vector<4x256x128xf32>
    %mul3A_31 = arith.constant 1.590000e+02 : f32
    %mul3A_32 = vector.broadcast %mul3A_31 : f32 to vector<4x256x128xf32>
    %mul3A_33 = arith.mulf %div3A_30, %mul3A_32 : vector<4x256x128xf32>
    %ge3A = arith.constant 0.000000e+00 : f32
    %ge3A_34 = vector.broadcast %ge3A : f32 to vector<4x256x128xf32>
    %ge3A_35 = arith.cmpf oge, %mul3A_33, %ge3A_34 : vector<4x256x128xf32>
    %lt3A = arith.constant 1.600000e+02 : f32
    %lt3A_36 = vector.broadcast %lt3A : f32 to vector<4x256x128xf32>
    %lt3A_37 = arith.cmpf olt, %mul3A_33, %lt3A_36 : vector<4x256x128xf32>
    %and3A = arith.andi %ge3A_35, %lt3A_37 : vector<4x256x128xi1>
    %ge3A_38 = arith.constant 0.000000e+00 : f32
    %ge3A_39 = vector.broadcast %ge3A_38 : f32 to vector<4x256x128xf32>
    %ge3A_40 = arith.cmpf oge, %mul3A_24, %ge3A_39 : vector<4x256x128xf32>
    %and3A_41 = arith.andi %and3A, %ge3A_40 : vector<4x256x128xi1>
    %lt3A_42 = arith.constant 1.600000e+02 : f32
    %lt3A_43 = vector.broadcast %lt3A_42 : f32 to vector<4x256x128xf32>
    %lt3A_44 = arith.cmpf olt, %mul3A_24, %lt3A_43 : vector<4x256x128xf32>
    %and3A_45 = arith.andi %and3A_41, %lt3A_44 : vector<4x256x128xi1>
    %convert_element_type3A = arith.fptosi %mul3A_33 : vector<4x256x128xf32> to vector<4x256x128xi32>
    %jit3A = arith.constant 0 : i32
    %jit3A_46 = arith.constant 159 : i32
    %max3A = vector.broadcast %jit3A : i32 to vector<4x256x128xi32>
    %max3A_47 = arith.maxsi %max3A, %convert_element_type3A : vector<4x256x128xi32>
    %min3A = vector.broadcast %jit3A_46 : i32 to vector<4x256x128xi32>
    %min3A_48 = arith.minsi %min3A, %max3A_47 : vector<4x256x128xi32>
    %convert_element_type3A_49 = arith.fptosi %mul3A_24 : vector<4x256x128xf32> to vector<4x256x128xi32>
    %jit3A_50 = arith.constant 0 : i32
    %jit3A_51 = arith.constant 159 : i32
    %max3A_52 = vector.broadcast %jit3A_50 : i32 to vector<4x256x128xi32>
    %max3A_53 = arith.maxsi %max3A_52, %convert_element_type3A_49 : vector<4x256x128xi32>
    %min3A_54 = vector.broadcast %jit3A_51 : i32 to vector<4x256x128xi32>
    %min3A_55 = arith.minsi %min3A_54, %max3A_53 : vector<4x256x128xi32>
    %mul3A_56 = arith.constant 160 : i32
    %mul3A_57 = vector.broadcast %mul3A_56 : i32 to vector<4x256x128xi32>
    %mul3A_58 = arith.muli %min3A_48, %mul3A_57 : vector<4x256x128xi32>
    %add3A = arith.addi %mul3A_58, %min3A_55 : vector<4x256x128xi32>
    %broadcast_in_dim3A = arith.constant 0 : i32
    %broadcast_in_dim3A_59 = vector.broadcast %broadcast_in_dim3A : i32 to vector<4x256x128xi32>
    %sub3A_60 = arith.subf %get3A_18, %get3A_14 : vector<4x1x1xf32>
    %mul3A_61 = arith.constant 0.166666672 : f32
    %mul3A_62 = vector.broadcast %mul3A_61 : f32 to vector<4x1x1xf32>
    %mul3A_63 = arith.mulf %sub3A_60, %mul3A_62 : vector<4x1x1xf32>
    %add3A_64 = arith.addf %get3A_14, %mul3A_63 : vector<4x1x1xf32>
    %ge3A_65 = vector.broadcast %add3A_64 : vector<4x1x1xf32> to vector<4x256x128xf32>
    %ge3A_66 = arith.cmpf oge, %get3A_10, %ge3A_65 : vector<4x256x128xf32>
    %convert_element_type3A_67 = arith.extui %ge3A_66 : vector<4x256x128xi1> to vector<4x256x128xi32>
    %add3A_68 = arith.addi %broadcast_in_dim3A_59, %convert_element_type3A_67 : vector<4x256x128xi32>
    %sub3A_69 = arith.subf %get3A_18, %get3A_14 : vector<4x1x1xf32>
    %mul3A_70 = arith.constant 0.333333343 : f32
    %mul3A_71 = vector.broadcast %mul3A_70 : f32 to vector<4x1x1xf32>
    %mul3A_72 = arith.mulf %sub3A_69, %mul3A_71 : vector<4x1x1xf32>
    %add3A_73 = arith.addf %get3A_14, %mul3A_72 : vector<4x1x1xf32>
    %ge3A_74 = vector.broadcast %add3A_73 : vector<4x1x1xf32> to vector<4x256x128xf32>
    %ge3A_75 = arith.cmpf oge, %get3A_10, %ge3A_74 : vector<4x256x128xf32>
    %convert_element_type3A_76 = arith.extui %ge3A_75 : vector<4x256x128xi1> to vector<4x256x128xi32>
    %add3A_77 = arith.addi %add3A_68, %convert_element_type3A_76 : vector<4x256x128xi32>
    %sub3A_78 = arith.subf %get3A_18, %get3A_14 : vector<4x1x1xf32>
    %mul3A_79 = arith.constant 5.000000e-01 : f32
    %mul3A_80 = vector.broadcast %mul3A_79 : f32 to vector<4x1x1xf32>
    %mul3A_81 = arith.mulf %sub3A_78, %mul3A_80 : vector<4x1x1xf32>
    %add3A_82 = arith.addf %get3A_14, %mul3A_81 : vector<4x1x1xf32>
    %ge3A_83 = vector.broadcast %add3A_82 : vector<4x1x1xf32> to vector<4x256x128xf32>
    %ge3A_84 = arith.cmpf oge, %get3A_10, %ge3A_83 : vector<4x256x128xf32>
    %convert_element_type3A_85 = arith.extui %ge3A_84 : vector<4x256x128xi1> to vector<4x256x128xi32>
    %add3A_86 = arith.addi %add3A_77, %convert_element_type3A_85 : vector<4x256x128xi32>
    %sub3A_87 = arith.subf %get3A_18, %get3A_14 : vector<4x1x1xf32>
    %mul3A_88 = arith.constant 0.666666686 : f32
    %mul3A_89 = vector.broadcast %mul3A_88 : f32 to vector<4x1x1xf32>
    %mul3A_90 = arith.mulf %sub3A_87, %mul3A_89 : vector<4x1x1xf32>
    %add3A_91 = arith.addf %get3A_14, %mul3A_90 : vector<4x1x1xf32>
    %ge3A_92 = vector.broadcast %add3A_91 : vector<4x1x1xf32> to vector<4x256x128xf32>
    %ge3A_93 = arith.cmpf oge, %get3A_10, %ge3A_92 : vector<4x256x128xf32>
    %convert_element_type3A_94 = arith.extui %ge3A_93 : vector<4x256x128xi1> to vector<4x256x128xi32>
    %add3A_95 = arith.addi %add3A_86, %convert_element_type3A_94 : vector<4x256x128xi32>
    %sub3A_96 = arith.subf %get3A_18, %get3A_14 : vector<4x1x1xf32>
    %mul3A_97 = arith.constant 0.833333313 : f32
    %mul3A_98 = vector.broadcast %mul3A_97 : f32 to vector<4x1x1xf32>
    %mul3A_99 = arith.mulf %sub3A_96, %mul3A_98 : vector<4x1x1xf32>
    %add3A_100 = arith.addf %get3A_14, %mul3A_99 : vector<4x1x1xf32>
    %ge3A_101 = vector.broadcast %add3A_100 : vector<4x1x1xf32> to vector<4x256x128xf32>
    %ge3A_102 = arith.cmpf oge, %get3A_10, %ge3A_101 : vector<4x256x128xf32>
    %convert_element_type3A_103 = arith.extui %ge3A_102 : vector<4x256x128xi1> to vector<4x256x128xi32>
    %add3A_104 = arith.addi %add3A_95, %convert_element_type3A_103 : vector<4x256x128xi32>
    %sub3A_105 = arith.subf %get3A_18, %get3A_14 : vector<4x1x1xf32>
    %mul3A_106 = arith.constant 1.000000e+00 : f32
    %mul3A_107 = vector.broadcast %mul3A_106 : f32 to vector<4x1x1xf32>
    %mul3A_108 = arith.mulf %sub3A_105, %mul3A_107 : vector<4x1x1xf32>
    %add3A_109 = arith.addf %get3A_14, %mul3A_108 : vector<4x1x1xf32>
    %ge3A_110 = vector.broadcast %add3A_109 : vector<4x1x1xf32> to vector<4x256x128xf32>
    %ge3A_111 = arith.cmpf oge, %get3A_10, %ge3A_110 : vector<4x256x128xf32>
    %convert_element_type3A_112 = arith.extui %ge3A_111 : vector<4x256x128xi1> to vector<4x256x128xi32>
    %add3A_113 = arith.addi %add3A_104, %convert_element_type3A_112 : vector<4x256x128xi32>
    %lt3A_114 = arith.constant 6 : i32
    %lt3A_115 = vector.broadcast %lt3A_114 : i32 to vector<4x256x128xi32>
    %lt3A_116 = arith.cmpi slt, %add3A_113, %lt3A_115 : vector<4x256x128xi32>
    %and3A_117 = arith.andi %and3A_45, %lt3A_116 : vector<4x256x128xi1>
    %mul3A_118 = arith.constant 25600 : i32
    %mul3A_119 = vector.broadcast %mul3A_118 : i32 to vector<4x256x128xi32>
    %mul3A_120 = arith.muli %add3A_113, %mul3A_119 : vector<4x256x128xi32>
    %add3A_121 = arith.addi %mul3A_120, %add3A : vector<4x256x128xi32>
    %jit3A_122 = arith.constant 153600 : i32
    %broadcast_in_dim3A_123 = vector.broadcast %jit3A_122 : i32 to vector<4x256x128xi32>
    %select_n3A = arith.select %and3A_117, %add3A_121, %broadcast_in_dim3A_123 : vector<4x256x128xi1>, vector<4x256x128xi32>
    %swap3A = arith.constant 0 : index
    %swap3A_124 = arith.constant 0 : index
    %swap3A_125 = arith.constant 0 : index
    %swap3A_126 = vector.load %arg6[%swap3A, %swap3A_124, %swap3A_125] : memref<4x256x128xi32, #tpu.memory_space<vmem>>, vector<4x256x128xi32>
    tpu.vector_store %arg6[%swap3A, %swap3A_124, %swap3A_125], %select_n3A {strides = array<i32>} : memref<4x256x128xi32, #tpu.memory_space<vmem>>, vector<4x256x128xi32>,
    return
  }
  func.func @transform_0(%arg0: i32) -> (i32, i32, i32) {
    %c1_i32 = arith.constant 1 : i32
    %c0_i32 = arith.constant 0 : i32
    %c0_i32_0 = arith.constant 0 : i32
    return %c1_i32, %arg0, %c0_i32 : i32, i32, i32
  }
  func.func @transform_1(%arg0: i32) -> (i32, i32, i32) {
    %c1_i32 = arith.constant 1 : i32
    %c0_i32 = arith.constant 0 : i32
    %c0_i32_0 = arith.constant 0 : i32
    return %c1_i32, %arg0, %c0_i32 : i32, i32, i32
  }
  func.func @transform_2(%arg0: i32) -> (i32, i32, i32) {
    %c1_i32 = arith.constant 1 : i32
    %c0_i32 = arith.constant 0 : i32
    %c0_i32_0 = arith.constant 0 : i32
    return %c1_i32, %arg0, %c0_i32 : i32, i32, i32
  }
  func.func @transform_3(%arg0: i32) -> (i32, i32, i32) {
    %c1_i32 = arith.constant 1 : i32
    %c0_i32 = arith.constant 0 : i32
    %c0_i32_0 = arith.constant 0 : i32
    %c0_i32_1 = arith.constant 0 : i32
    return %c1_i32, %c0_i32, %c0_i32_0 : i32, i32, i32
  }
  func.func @transform_4(%arg0: i32) -> (i32, i32, i32) {
    %c1_i32 = arith.constant 1 : i32
    %c0_i32 = arith.constant 0 : i32
    %c0_i32_0 = arith.constant 0 : i32
    %c0_i32_1 = arith.constant 0 : i32
    return %c1_i32, %c0_i32, %c0_i32_0 : i32, i32, i32
  }
  func.func @transform_5(%arg0: i32) -> (i32, i32, i32) {
    %c0_i32 = arith.constant 0 : i32
    %c0_i32_0 = arith.constant 0 : i32
    %c0_i32_1 = arith.constant 0 : i32
    return %c0_i32, %arg0, %c0_i32_0 : i32, i32, i32
  }
}

module attributes {stable_mosaic.version = 14 : i64} {
  func.func @body(%arg0: i32, %arg1: memref<4x256x128xf32, #tpu.memory_space<vmem>>, %arg2: memref<4x256x128xf32, #tpu.memory_space<vmem>>, %arg3: memref<4x256x128xf32, #tpu.memory_space<vmem>>, %arg4: memref<4x1x1xf32, #tpu.memory_space<vmem>>, %arg5: memref<4x1x1xf32, #tpu.memory_space<vmem>>, %arg6: memref<4x256x128xi32, #tpu.memory_space<vmem>>) attributes {dimension_semantics = [#tpu.dimension_semantics<arbitrary>], iteration_bounds = array<i64: 8>, scalar_prefetch = 0 : i64, scratch_operands = 0 : i64, tpu.core_type = #tpu.core_type<tc>, window_params = [{transform_indices = @transform_0, window_bounds = array<i64: 4, 256, 128>}, {transform_indices = @transform_1, window_bounds = array<i64: 4, 256, 128>}, {transform_indices = @transform_2, window_bounds = array<i64: 4, 256, 128>}, {transform_indices = @transform_3, window_bounds = array<i64: 4, 1, 1>}, {transform_indices = @transform_4, window_bounds = array<i64: 4, 1, 1>}, {transform_indices = @transform_5, window_bounds = array<i64: 4, 256, 128>}]} {
    %get3A = arith.constant 0 : index
    %get3A_0 = arith.constant 0 : index
    %get3A_1 = arith.constant 0 : index
    %get3A_2 = vector.load %arg1[%get3A, %get3A_0, %get3A_1] : memref<4x256x128xf32, #tpu.memory_space<vmem>>, vector<4x256x128xf32>
    %get3A_3 = arith.constant 0 : index
    %get3A_4 = arith.constant 0 : index
    %get3A_5 = arith.constant 0 : index
    %get3A_6 = vector.load %arg2[%get3A_3, %get3A_4, %get3A_5] : memref<4x256x128xf32, #tpu.memory_space<vmem>>, vector<4x256x128xf32>
    %get3A_7 = arith.constant 0 : index
    %get3A_8 = arith.constant 0 : index
    %get3A_9 = arith.constant 0 : index
    %get3A_10 = vector.load %arg3[%get3A_7, %get3A_8, %get3A_9] : memref<4x256x128xf32, #tpu.memory_space<vmem>>, vector<4x256x128xf32>
    %get3A_11 = arith.constant 0 : index
    %get3A_12 = arith.constant 0 : index
    %get3A_13 = arith.constant 0 : index
    %get3A_14 = vector.load %arg4[%get3A_11, %get3A_12, %get3A_13] : memref<4x1x1xf32, #tpu.memory_space<vmem>>, vector<4x1x1xf32>
    %get3A_15 = arith.constant 0 : index
    %get3A_16 = arith.constant 0 : index
    %get3A_17 = arith.constant 0 : index
    %get3A_18 = vector.load %arg5[%get3A_15, %get3A_16, %get3A_17] : memref<4x1x1xf32, #tpu.memory_space<vmem>>, vector<4x1x1xf32>
    %sub3A = arith.constant -1.000000e+00 : f32
    %sub3A_19 = vector.broadcast %sub3A : f32 to vector<4x256x128xf32>
    %sub3A_20 = arith.subf %get3A_2, %sub3A_19 : vector<4x256x128xf32>
    %div3A = arith.constant 2.00000095 : f32
    %div3A_21 = vector.broadcast %div3A : f32 to vector<4x256x128xf32>
    %div3A_22 = arith.divf %sub3A_20, %div3A_21 : vector<4x256x128xf32>
    %mul3A = arith.constant 1.590000e+02 : f32
    %mul3A_23 = vector.broadcast %mul3A : f32 to vector<4x256x128xf32>
    %mul3A_24 = arith.mulf %div3A_22, %mul3A_23 : vector<4x256x128xf32>
    %sub3A_25 = arith.constant -1.000000e+00 : f32
    %sub3A_26 = vector.broadcast %sub3A_25 : f32 to vector<4x256x128xf32>
    %sub3A_27 = arith.subf %get3A_6, %sub3A_26 : vector<4x256x128xf32>
    %div3A_28 = arith.constant 2.00000095 : f32
    %div3A_29 = vector.broadcast %div3A_28 : f32 to vector<4x256x128xf32>
    %div3A_30 = arith.divf %sub3A_27, %div3A_29 : vector<4x256x128xf32>
    %mul3A_31 = arith.constant 1.590000e+02 : f32
    %mul3A_32 = vector.broadcast %mul3A_31 : f32 to vector<4x256x128xf32>
    %mul3A_33 = arith.mulf %div3A_30, %mul3A_32 : vector<4x256x128xf32>
    %ge3A = arith.constant 0.000000e+00 : f32
    %ge3A_34 = vector.broadcast %ge3A : f32 to vector<4x256x128xf32>
    %ge3A_35 = arith.cmpf oge, %mul3A_33, %ge3A_34 : vector<4x256x128xf32>
    %lt3A = arith.constant 1.600000e+02 : f32
    %lt3A_36 = vector.broadcast %lt3A : f32 to vector<4x256x128xf32>
    %lt3A_37 = arith.cmpf olt, %mul3A_33, %lt3A_36 : vector<4x256x128xf32>
    %and3A = arith.andi %ge3A_35, %lt3A_37 : vector<4x256x128xi1>
    %ge3A_38 = arith.constant 0.000000e+00 : f32
    %ge3A_39 = vector.broadcast %ge3A_38 : f32 to vector<4x256x128xf32>
    %ge3A_40 = arith.cmpf oge, %mul3A_24, %ge3A_39 : vector<4x256x128xf32>
    %and3A_41 = arith.andi %and3A, %ge3A_40 : vector<4x256x128xi1>
    %lt3A_42 = arith.constant 1.600000e+02 : f32
    %lt3A_43 = vector.broadcast %lt3A_42 : f32 to vector<4x256x128xf32>
    %lt3A_44 = arith.cmpf olt, %mul3A_24, %lt3A_43 : vector<4x256x128xf32>
    %and3A_45 = arith.andi %and3A_41, %lt3A_44 : vector<4x256x128xi1>
    %convert_element_type3A = arith.fptosi %mul3A_33 : vector<4x256x128xf32> to vector<4x256x128xi32>
    %jit3A = arith.constant 0 : i32
    %jit3A_46 = arith.constant 159 : i32
    %max3A = vector.broadcast %jit3A : i32 to vector<4x256x128xi32>
    %max3A_47 = arith.maxsi %max3A, %convert_element_type3A : vector<4x256x128xi32>
    %min3A = vector.broadcast %jit3A_46 : i32 to vector<4x256x128xi32>
    %min3A_48 = arith.minsi %min3A, %max3A_47 : vector<4x256x128xi32>
    %convert_element_type3A_49 = arith.fptosi %mul3A_24 : vector<4x256x128xf32> to vector<4x256x128xi32>
    %jit3A_50 = arith.constant 0 : i32
    %jit3A_51 = arith.constant 159 : i32
    %max3A_52 = vector.broadcast %jit3A_50 : i32 to vector<4x256x128xi32>
    %max3A_53 = arith.maxsi %max3A_52, %convert_element_type3A_49 : vector<4x256x128xi32>
    %min3A_54 = vector.broadcast %jit3A_51 : i32 to vector<4x256x128xi32>
    %min3A_55 = arith.minsi %min3A_54, %max3A_53 : vector<4x256x128xi32>
    %mul3A_56 = arith.constant 160 : i32
    %mul3A_57 = vector.broadcast %mul3A_56 : i32 to vector<4x256x128xi32>
    %mul3A_58 = arith.muli %min3A_48, %mul3A_57 : vector<4x256x128xi32>
    %add3A = arith.addi %mul3A_58, %min3A_55 : vector<4x256x128xi32>
    %broadcast_in_dim3A = arith.constant 0 : i32
    %broadcast_in_dim3A_59 = vector.broadcast %broadcast_in_dim3A : i32 to vector<4x256x128xi32>
    %sub3A_60 = arith.subf %get3A_18, %get3A_14 : vector<4x1x1xf32>
    %mul3A_61 = arith.constant 0.166666672 : f32
    %mul3A_62 = vector.broadcast %mul3A_61 : f32 to vector<4x1x1xf32>
    %mul3A_63 = arith.mulf %sub3A_60, %mul3A_62 : vector<4x1x1xf32>
    %add3A_64 = arith.addf %get3A_14, %mul3A_63 : vector<4x1x1xf32>
    %ge3A_65 = vector.broadcast %add3A_64 : vector<4x1x1xf32> to vector<4x256x128xf32>
    %ge3A_66 = arith.cmpf oge, %get3A_10, %ge3A_65 : vector<4x256x128xf32>
    %convert_element_type3A_67 = arith.extui %ge3A_66 : vector<4x256x128xi1> to vector<4x256x128xi32>
    %add3A_68 = arith.addi %broadcast_in_dim3A_59, %convert_element_type3A_67 : vector<4x256x128xi32>
    %sub3A_69 = arith.subf %get3A_18, %get3A_14 : vector<4x1x1xf32>
    %mul3A_70 = arith.constant 0.333333343 : f32
    %mul3A_71 = vector.broadcast %mul3A_70 : f32 to vector<4x1x1xf32>
    %mul3A_72 = arith.mulf %sub3A_69, %mul3A_71 : vector<4x1x1xf32>
    %add3A_73 = arith.addf %get3A_14, %mul3A_72 : vector<4x1x1xf32>
    %ge3A_74 = vector.broadcast %add3A_73 : vector<4x1x1xf32> to vector<4x256x128xf32>
    %ge3A_75 = arith.cmpf oge, %get3A_10, %ge3A_74 : vector<4x256x128xf32>
    %convert_element_type3A_76 = arith.extui %ge3A_75 : vector<4x256x128xi1> to vector<4x256x128xi32>
    %add3A_77 = arith.addi %add3A_68, %convert_element_type3A_76 : vector<4x256x128xi32>
    %sub3A_78 = arith.subf %get3A_18, %get3A_14 : vector<4x1x1xf32>
    %mul3A_79 = arith.constant 5.000000e-01 : f32
    %mul3A_80 = vector.broadcast %mul3A_79 : f32 to vector<4x1x1xf32>
    %mul3A_81 = arith.mulf %sub3A_78, %mul3A_80 : vector<4x1x1xf32>
    %add3A_82 = arith.addf %get3A_14, %mul3A_81 : vector<4x1x1xf32>
    %ge3A_83 = vector.broadcast %add3A_82 : vector<4x1x1xf32> to vector<4x256x128xf32>
    %ge3A_84 = arith.cmpf oge, %get3A_10, %ge3A_83 : vector<4x256x128xf32>
    %convert_element_type3A_85 = arith.extui %ge3A_84 : vector<4x256x128xi1> to vector<4x256x128xi32>
    %add3A_86 = arith.addi %add3A_77, %convert_element_type3A_85 : vector<4x256x128xi32>
    %sub3A_87 = arith.subf %get3A_18, %get3A_14 : vector<4x1x1xf32>
    %mul3A_88 = arith.constant 0.666666686 : f32
    %mul3A_89 = vector.broadcast %mul3A_88 : f32 to vector<4x1x1xf32>
    %mul3A_90 = arith.mulf %sub3A_87, %mul3A_89 : vector<4x1x1xf32>
    %add3A_91 = arith.addf %get3A_14, %mul3A_90 : vector<4x1x1xf32>
    %ge3A_92 = vector.broadcast %add3A_91 : vector<4x1x1xf32> to vector<4x256x128xf32>
    %ge3A_93 = arith.cmpf oge, %get3A_10, %ge3A_92 : vector<4x256x128xf32>
    %convert_element_type3A_94 = arith.extui %ge3A_93 : vector<4x256x128xi1> to vector<4x256x128xi32>
    %add3A_95 = arith.addi %add3A_86, %convert_element_type3A_94 : vector<4x256x128xi32>
    %sub3A_96 = arith.subf %get3A_18, %get3A_14 : vector<4x1x1xf32>
    %mul3A_97 = arith.constant 0.833333313 : f32
    %mul3A_98 = vector.broadcast %mul3A_97 : f32 to vector<4x1x1xf32>
    %mul3A_99 = arith.mulf %sub3A_96, %mul3A_98 : vector<4x1x1xf32>
    %add3A_100 = arith.addf %get3A_14, %mul3A_99 : vector<4x1x1xf32>
    %ge3A_101 = vector.broadcast %add3A_100 : vector<4x1x1xf32> to vector<4x256x128xf32>
    %ge3A_102 = arith.cmpf oge, %get3A_10, %ge3A_101 : vector<4x256x128xf32>
    %convert_element_type3A_103 = arith.extui %ge3A_102 : vector<4x256x128xi1> to vector<4x256x128xi32>
    %add3A_104 = arith.addi %add3A_95, %convert_element_type3A_103 : vector<4x256x128xi32>
    %sub3A_105 = arith.subf %get3A_18, %get3A_14 : vector<4x1x1xf32>
    %mul3A_106 = arith.constant 1.000000e+00 : f32
    %mul3A_107 = vector.broadcast %mul3A_106 : f32 to vector<4x1x1xf32>
    %mul3A_108 = arith.mulf %sub3A_105, %mul3A_107 : vector<4x1x1xf32>
    %add3A_109 = arith.addf %get3A_14, %mul3A_108 : vector<4x1x1xf32>
    %ge3A_110 = vector.broadcast %add3A_109 : vector<4x1x1xf32> to vector<4x256x128xf32>
    %ge3A_111 = arith.cmpf oge, %get3A_10, %ge3A_110 : vector<4x256x128xf32>
    %convert_element_type3A_112 = arith.extui %ge3A_111 : vector<4x256x128xi1> to vector<4x256x128xi32>
    %add3A_113 = arith.addi %add3A_104, %convert_element_type3A_112 : vector<4x256x128xi32>
    %lt3A_114 = arith.constant 6 : i32
    %lt3A_115 = vector.broadcast %lt3A_114 : i32 to vector<4x256x128xi32>
    %lt3A_116 = arith.cmpi slt, %add3A_113, %lt3A_115 : vector<4x256x128xi32>
    %and3A_117 = arith.andi %and3A_45, %lt3A_116 : vector<4x256x128xi1>
    %mul3A_118 = arith.constant 25600 : i32
    %mul3A_119 = vector.broadcast %mul3A_118 : i32 to vector<4x256x128xi32>
    %mul3A_120 = arith.muli %add3A_113, %mul3A_119 : vector<4x256x128xi32>
    %add3A_121 = arith.addi %mul3A_120, %add3A : vector<4x256x128xi32>
    %jit3A_122 = arith.constant 153600 : i32
    %broadcast_in_dim3A_123 = vector.broadcast %jit3A_122 : i32 to vector<4x256x128xi32>
    %select_n3A = arith.select %and3A_117, %add3A_121, %broadcast_in_dim3A_123 : vector<4x256x128xi1>, vector<4x256x128xi32>
    %swap3A = arith.constant 0 : index
    %swap3A_124 = arith.constant 0 : index
    %swap3A_125 = arith.constant 0 : index
    %swap3A_126 = vector.load %arg6[%swap3A, %swap3A_124, %swap3A_125] : memref<4x256x128xi32, #tpu.memory_space<vmem>>, vector<4x256x128xi32>
    tpu.vector_store %arg6[%swap3A, %swap3A_124, %swap3A_125], %select_n3A {strides = array<i32>} : memref<4x256x128xi32, #tpu.memory_space<vmem>>, vector<4x256x128xi32>,
    return
  }
  func.func @transform_0(%arg0: i32) -> (i32, i32, i32) {
    %c0_i32 = arith.constant 0 : i32
    %c0_i32_0 = arith.constant 0 : i32
    %c0_i32_1 = arith.constant 0 : i32
    return %c0_i32, %arg0, %c0_i32_0 : i32, i32, i32
  }
  func.func @transform_1(%arg0: i32) -> (i32, i32, i32) {
    %c0_i32 = arith.constant 0 : i32
    %c0_i32_0 = arith.constant 0 : i32
    %c0_i32_1 = arith.constant 0 : i32
    return %c0_i32, %arg0, %c0_i32_0 : i32, i32, i32
  }
  func.func @transform_2(%arg0: i32) -> (i32, i32, i32) {
    %c0_i32 = arith.constant 0 : i32
    %c0_i32_0 = arith.constant 0 : i32
    %c0_i32_1 = arith.constant 0 : i32
    return %c0_i32, %arg0, %c0_i32_0 : i32, i32, i32
  }
  func.func @transform_3(%arg0: i32) -> (i32, i32, i32) {
    %c0_i32 = arith.constant 0 : i32
    %c0_i32_0 = arith.constant 0 : i32
    %c0_i32_1 = arith.constant 0 : i32
    %c0_i32_2 = arith.constant 0 : i32
    return %c0_i32, %c0_i32_0, %c0_i32_1 : i32, i32, i32
  }
  func.func @transform_4(%arg0: i32) -> (i32, i32, i32) {
    %c0_i32 = arith.constant 0 : i32
    %c0_i32_0 = arith.constant 0 : i32
    %c0_i32_1 = arith.constant 0 : i32
    %c0_i32_2 = arith.constant 0 : i32
    return %c0_i32, %c0_i32_0, %c0_i32_1 : i32, i32, i32
  }
  func.func @transform_5(%arg0: i32) -> (i32, i32, i32) {
    %c0_i32 = arith.constant 0 : i32
    %c0_i32_0 = arith.constant 0 : i32
    %c0_i32_1 = arith.constant 0 : i32
    return %c0_i32, %arg0, %c0_i32_0 : i32, i32, i32
  }
}

module attributes {stable_mosaic.version = 14 : i64} {
  func.func @body(%arg0: i32, %arg1: memref<200x128xf32, #tpu.memory_space<vmem>>, %arg2: memref<200x128xf32, #tpu.memory_space<vmem>>) attributes {dimension_semantics = [#tpu.dimension_semantics<arbitrary>], iteration_bounds = array<i64: 24>, scalar_prefetch = 0 : i64, scratch_operands = 0 : i64, tpu.core_type = #tpu.core_type<tc>, window_params = [{transform_indices = @transform_0, window_bounds = array<i64: 200, 128>}, {transform_indices = @transform_1, window_bounds = array<i64: 200, 128>}]} {
    %get3A = arith.constant 0 : index
    %get3A_0 = arith.constant 0 : index
    %get3A_1 = vector.load %arg1[%get3A, %get3A_0] : memref<200x128xf32, #tpu.memory_space<vmem>>, vector<200x128xf32>
    %log1p3A = math.log1p %get3A_1 : vector<200x128xf32>
    %reduce_min3A = vector.shape_cast %log1p3A : vector<200x128xf32> to vector<1x200x128xf32>
    %reduce_min3A_2 = arith.constant dense<0x7F800000> : vector<1xf32>
    %reduce_min3A_3 = vector.multi_reduction <minimumf>, %reduce_min3A, %reduce_min3A_2 [1, 2] : vector<1x200x128xf32> to vector<1xf32>
    %reduce_min3A_4 = vector.shape_cast %reduce_min3A_3 : vector<1xf32> to vector<1x1x1xf32>
    %reduce_min3A_5 = vector.extract %reduce_min3A_4[0, 0, 0] : f32 from vector<1x1x1xf32>
    %reduce_max3A = vector.shape_cast %log1p3A : vector<200x128xf32> to vector<1x200x128xf32>
    %reduce_max3A_6 = arith.constant dense<0xFF800000> : vector<1xf32>
    %reduce_max3A_7 = vector.multi_reduction <maximumf>, %reduce_max3A, %reduce_max3A_6 [1, 2] : vector<1x200x128xf32> to vector<1xf32>
    %reduce_max3A_8 = vector.shape_cast %reduce_max3A_7 : vector<1xf32> to vector<1x1x1xf32>
    %reduce_max3A_9 = vector.extract %reduce_max3A_8[0, 0, 0] : f32 from vector<1x1x1xf32>
    %sub3A = vector.broadcast %reduce_min3A_5 : f32 to vector<200x128xf32>
    %sub3A_10 = arith.subf %log1p3A, %sub3A : vector<200x128xf32>
    %sub3A_11 = arith.subf %reduce_max3A_9, %reduce_min3A_5 : f32
    %add3A = arith.constant 9.99999997E-7 : f32
    %add3A_12 = arith.addf %sub3A_11, %add3A : f32
    %div3A = vector.broadcast %add3A_12 : f32 to vector<200x128xf32>
    %div3A_13 = arith.divf %sub3A_10, %div3A : vector<200x128xf32>
    %swap3A = arith.constant 0 : index
    %swap3A_14 = arith.constant 0 : index
    %swap3A_15 = vector.load %arg2[%swap3A, %swap3A_14] : memref<200x128xf32, #tpu.memory_space<vmem>>, vector<200x128xf32>
    tpu.vector_store %arg2[%swap3A, %swap3A_14], %div3A_13 {strides = array<i32>} : memref<200x128xf32, #tpu.memory_space<vmem>>, vector<200x128xf32>,
    return
  }
  func.func @transform_0(%arg0: i32) -> (i32, i32) {
    %c0_i32 = arith.constant 0 : i32
    %c0_i32_0 = arith.constant 0 : i32
    return %arg0, %c0_i32 : i32, i32
  }
  func.func @transform_1(%arg0: i32) -> (i32, i32) {
    %c0_i32 = arith.constant 0 : i32
    %c0_i32_0 = arith.constant 0 : i32
    return %arg0, %c0_i32 : i32, i32
  }
}

</mosaic_0001>

<sc_bundles>
// kernel: kernel.12.cloned.1.call-start
scs
__scs_entry_jumppad:
0x0: {  	(pc) =	sbr.rel $0x88, $3  }
0x1: {  	(tag) =	ssettag $0x0;
	lr =	simm.s32 $0x1  }
0x2: {  	[smem:$0x3FA0] =	sst lr;
	_ =	strace $0xD0000000  }
0x3: {  	_ = 	snop  }
0x4: {  	_ = 	snop  }
0x5: {  	_ = 	snop  }
0x6: {  	_ = 	snop  }
0x7: {  	_ = 	snop  }
__scs_overlays_trampoline_lowered:
0x8: {  	[smem:$0x3FAF] =	sst s0  }
0x9: {  	[smem:$0x3FB0] =	sst s1  }
0xa: {  	[smem:$0x3FB1] =	sst s2  }
0xb: {  	[smem:$0x3FB2] =	sst s3  }
0xc: {  	[smem:$0x3FB3] =	sst s4  }
0xd: {  	[smem:$0x3FB4] =	sst s5  }
0xe: {  	[smem:$0x3FB5] =	sst s6  }
0xf: {  	[smem:$0x3FB6] =	sst s7  }
0x10: {  	[smem:$0x3FB7] =	sst s8  }
0x11: {  	[smem:$0x3FB8] =	sst s9;
	s0 =	simm.s32 @!p0 $0x0  }
0x12: {  	s1 =	sld [smem:$0x3F9E];
	s0 =	simm.s32 @p0 $0x1  }
0x13: {  	[smem:$0x3FB9] =	sst s0;
	s0 =	simm.s32 @!p1 $0x0  }
0x14: {  	s2 =	sld [smem:$0x3F9D];
	s0 =	simm.s32 @p1 $0x1  }
0x15: {  	[smem:$0x3FBA] =	sst s0;
	s0 =	simm.s32 @!p2 $0x0  }
0x16: {  	s3 =	sld [smem:$0x3FDB];
	s0 =	simm.s32 @p2 $0x1  }
0x17: {  	s4 =	simm.s32 $0x1BF5;
	[smem:$0x3FBC] =	sst s0  }
0x18: {  	s0 =	sld [smem:$0x3F9F];
	_ =	swait.ge [sflag:s4], $0x0  }
0x19: {  	s7 =	sld [smem:$0x3FA0]  }
0x1a: {  	s8 =	sadd.s32 $0xFFFFE003, lr  }
0x1b: {  	s9 =	sadd.s32 $0xFFFFFEF7, lr;
	s5 =	simm.s32 $0xFFFFFFFF;
	p2 =	slt.u32 s8, $0xFFFFF086  }
0x1c: {  	p1 =	slt.u32 s9, $0xF7A;
	s5 =	simm.s32 @!p2 $0x0  }
0x1d: {  	s5 =	simm.s32 @p1 $0x1;
	p0 =	seq.s32 s7, s2  }
0x1e: {  	s7 =	smul.u32 @!p0 $0xF7A, s2;
	p2 =	seq.s32 @!p0 s5, $0x0  }
0x1f: {  	s9 =	smul.u32 $0xF7A, s1;
	s8 =	simm.s32 @!p0 $0x1BF5;
	p2 =	por !p2, p0  }
0x20: {  	[sflag:s8] =	ssyncset.s32 @!p0 $0xFFFFF086;
	s6 =	sadd.s32 @!p0 s3, s7;
	s7 =	simm.s32 @!p0 $0x108  }
0x21: {  	s3 =	sadd.s32 s3, s9;
	s6 =	sadd.s32 @!p0 $0x88, s6;
	s7 =	simm.s32 @p2 $0x1082  }
0x22: {  	[simem:s7], [sflag:s8] =	dma.local @!p0 [hbm:s6], $0xF7A  }
0x23: {  	s9 =	sor.u32 $0xD0000000, s2;
	s6 =	simm.s32 $0x108;
	_ =	swait.ge @!p0 [sflag:s8], $0x0  }
0x24: {  	s3 =	sadd.s32 $0x88, s3;
	s6 =	simm.s32 @!p1 $0x1082;
	[sflag:s4] =	ssyncset.s32 $0xFFFFF086  }
0x25: {  	[simem:s6], [sflag:s4] =	dma.local [hbm:s3], $0xF7A  }
0x26: {  	[smem:$0x3FA0] =	sst s1;
	(tag) =	ssettag s2;
	_ =	strace s9  }
0x27: {  	s1 =	sld [smem:$0x3FB0]  }
0x28: {  	s2 =	sld [smem:$0x3FB1]  }
0x29: {  	s4 =	sld [smem:$0x3FB3]  }
0x2a: {  	p0 =	seq.s32 s5, $0x0;
	s5 =	sld [smem:$0x3FB4]  }
0x2b: {  	s6 =	sld [smem:$0x3FB5]  }
0x2c: {  	s7 =	sld [smem:$0x3FB6]  }
0x2d: {  	s3 =	simm.s32 $0x108;
	s8 =	sld [smem:$0x3FB7]  }
0x2e: {  	s3 =	simm.s32 @!p0 $0x1082;
	s9 =	sld [smem:$0x3FB8]  }
0x2f: {  	lr =	sadd.s32 s0, s3;
	s0 =	sld [smem:$0x3FAF]  }
0x30: {  	s3 =	sld [smem:$0x3FB2]  }
0x31: {  	[smem:$0x3FBB] =	sst s10  }
0x32: {  	s10 =	sld [smem:$0x3FB9];
	_ =	sdelay $0x3  }
0x33: {  	p0 =	seq.s32 s10, $0x1;
	s10 =	sld [smem:$0x3FBB];
	_ =	sdelay $0x3  }
0x34: {  	[smem:$0x3FBB] =	sst s10  }
0x35: {  	s10 =	sld [smem:$0x3FBA];
	_ =	sdelay $0x3  }
0x36: {  	p1 =	seq.s32 s10, $0x1;
	s10 =	sld [smem:$0x3FBB];
	_ =	sdelay $0x3  }
0x37: {  	[smem:$0x3FBB] =	sst s10  }
0x38: {  	s10 =	sld [smem:$0x3FBC]  }
0x39: {  	_ = 	snop;
	(pc) =	sbr.ind lr, $3  }
0x3a: {  	_ = 	snop  }
0x3b: {  	_ = 	snop  }
0x3c: {  	p2 =	seq.s32 s10, $0x1;
	s10 =	sld [smem:$0x3FBB]  }
0x3d: {  	_ =	shalt  }
0x3e: {  	_ =	shalt  }
0x3f: {  	_ =	shalt  }
0x40: {  	_ =	shalt  }
0x41: {  	_ =	shalt  }
0x42: {  	_ =	shalt  }
0x43: {  	_ =	shalt  }
0x44: {  	_ =	shalt  }
0x45: {  	_ =	shalt  }
0x46: {  	_ =	shalt  }
0x47: {  	_ =	shalt  }
0x48: {  	_ =	shalt  }
0x49: {  	_ =	shalt  }
0x4a: {  	_ =	shalt  }
0x4b: {  	_ =	shalt  }
0x4c: {  	_ =	shalt  }
0x4d: {  	_ =	shalt  }
0x4e: {  	_ =	shalt  }
0x4f: {  	_ =	shalt  }
0x50: {  	_ =	shalt  }
0x51: {  	_ =	shalt  }
0x52: {  	_ =	shalt  }
0x53: {  	_ =	shalt  }
0x54: {  	_ =	shalt  }
0x55: {  	_ =	shalt  }
0x56: {  	_ =	shalt  }
0x57: {  	_ =	shalt  }
0x58: {  	_ =	shalt  }
0x59: {  	_ =	shalt  }
0x5a: {  	_ =	shalt  }
0x5b: {  	_ =	shalt  }
0x5c: {  	_ =	shalt  }
0x5d: {  	_ =	shalt  }
0x5e: {  	_ =	shalt  }
0x5f: {  	_ =	shalt  }
0x60: {  	_ =	shalt  }
0x61: {  	_ =	shalt  }
0x62: {  	_ =	shalt  }
0x63: {  	_ =	shalt  }
0x64: {  	_ =	shalt  }
0x65: {  	_ =	shalt  }
0x66: {  	_ =	shalt  }
0x67: {  	_ =	shalt  }
0x68: {  	_ =	shalt  }
0x69: {  	_ =	shalt  }
0x6a: {  	_ =	shalt  }
0x6b: {  	_ =	shalt  }
0x6c: {  	_ =	shalt  }
0x6d: {  	_ =	shalt  }
0x6e: {  	_ =	shalt  }
0x6f: {  	_ =	shalt  }
0x70: {  	_ =	shalt  }
0x71: {  	_ =	shalt  }
0x72: {  	_ =	shalt  }
0x73: {  	_ =	shalt  }
0x74: {  	_ =	shalt  }
0x75: {  	_ =	shalt  }
0x76: {  	_ =	shalt  }
0x77: {  	_ =	shalt  }
0x78: {  	_ =	shalt  }
0x79: {  	_ =	shalt  }
0x7a: {  	_ =	shalt  }
0x7b: {  	_ =	shalt  }
0x7c: {  	_ =	shalt  }
0x7d: {  	_ =	shalt  }
0x7e: {  	_ =	shalt  }
0x7f: {  	_ =	shalt  }
0x80: {  	_ =	shalt  }
0x81: {  	_ =	shalt  }
0x82: {  	_ =	shalt  }
0x83: {  	_ =	shalt  }
0x84: {  	_ =	shalt  }
0x85: {  	_ =	shalt  }
0x86: {  	_ =	shalt  }
0x87: {  	_ =	shalt  }
.Lfunc_end0:
.L_simem_size_0:
called_computation.1_lowered:
.L_overlay_start_0:
0x88: {  	s2 =	sld [smem:$0x3FD9]  }
0x89: {  	s3 =	sld [smem:$0x3FFE];
	_ =	sdelay $0x1  }
0x8a: {  	s1 =	srdreg.scid  }
0x8b: {  	s0 =	sand.u32 $0x1, s1  }
0x8c: {  	s17 =	sshll.u32 s0, $0xA;
	s2 =	sadd.s32 s3, s2  }
0x8d: {  	s2 =	sadd.s32 s2, s17  }
0x8e: {  	[smem:$0x3FC7] =	sst s2  }
0x8f: {  	_ = 	snop  }
0x90: {  	s2 =	sld [smem:$0x3FD0];
	(tm) =	ssettm $0x1  }
0x91: {  	s18 =	sld [smem:$0x3FFB];
	_ =	sdelay $0x3  }
0x92: {  	_ =	strace s18  }
0x93: {  	s3 =	sld [smem:$0x3FFC];
	_ =	sdelay $0x3  }
0x94: {  	_ =	strace s3  }
0x95: {  	s3 =	sld [smem:$0x3FFD];
	_ =	sdelay $0x3  }
0x96: {  	_ =	strace s3  }
0x97: {  	_ =	strace $0x8FFFFFFF  }
0x98: {  	s19 =	sld [smem:$0x3FDB];
	_ =	sdelay $0x1  }
0x99: {  	s4 =	simm.s32 $_scs_section_size  }
0x9a: {  	s5 =	simm.s32 $_size__tile_overlayer_lowered;
	s6 =	simm.s32 $_tile_overlayer_lowered  }
0x9b: {  	s22 =	simm.s32 $0x1BFF;
	s21 =	sshll.u32 s6, $0x1;
	s3 =	sadd.s32 s4, s19  }
0x9c: {  	s7 =	simm.s32 $0x0;
	s20 =	sshll.u32 s5, $0x1;
	s5 =	sadd.s32 s21, s3  }
0x9d: {  	[timem:s7], [sflag:s22] =	dma.local [hbm:s5], s20  }
0x9e: {  	_ =	swait.ge [sflag:s22], s20  }
0x9f: {  	s4 =	ssub.s32 $0x0, s20;
	[sflag:s22] =	ssyncset.done $0x0  }
0xa0: {  	[sflag:s22] =	ssyncadd.s32 s4;
	_ =	sdelay $0x1  }
0xa1: {  	s23 =	simm.s32 $0x1B8B  }
0xa2: {  	_ =	swait.ge [sflag:s23], $0x1  }
0xa3: {  	[sflag:s23] =	ssyncset.done $0x0  }
0xa4: {  	s25 =	simm.s32 $0x1B8E;
	s24 =	sld [smem:$0x3FFE];
	[sflag:s23] =	ssyncadd.s32 $0xFFFFFFFF  }
0xa5: {  	s26 =	simm.s32 $execute0_lowered;
	[smem:$0x3FD2] =	sst s25  }
0xa6: {  	s5 =	sshll.u32 s26, $0x1;
	_ =	strace $0x80000046;
	[dreg:$0x1] =	wrdreg $0xFFFFFFFF  }
0xa7: {  	s28 =	simm.s32 $_size_execute0_lowered;
	s3 =	sadd.s32 s3, s5;
	[dreg:$0x0] =	wrdreg $0x0  }
0xa8: {  	s5 =	sshll.u32 s28, $0x1;
	[dreg:$0x2] =	wrdreg s3  }
0xa9: {  	[dreg:$0x3] =	wrdreg s5  }
0xaa: {  	[dreg:$0x4] =	wrdreg $0xC0  }
0xab: {  	_ =	task [dreg:s7], $0x5FFFF  }
0xac: {  	[dreg:$0x1] =	wrdreg $0xFFFFFFFF  }
0xad: {  	[dreg:$0x0] =	wrdreg $0x60  }
0xae: {  	[dreg:$0x2] =	wrdreg s2  }
0xaf: {  	[dreg:$0x3] =	wrdreg s24  }
0xb0: {  	[dreg:$0x4] =	wrdreg $0xA6000  }
0xb1: {  	[dreg:$0x5] =	wrdreg $0xA  }
0xb2: {  	_ =	task.clear_ibuf [dreg:s7], $0x6FFFF;
	_ =	strace $0x90000046  }
0xb3: {  	s29 =	simm.s32 $0xA;
	_ =	strace $0x80000048  }
0xb4: {  	_ =	swait.ge [sflag:s29], $0x1  }
0xb5: {  	[sflag:s29] =	ssyncadd.s32 $0xFFFFFFFF  }
0xb6: {  	_ =	strace $0x90000048  }
0xb7: {  	_ =	sfence  }
0xb8: {  	s30 =	sld [smem:$0x0];
	_ =	sdelay $0x2  }
0xb9: {  	s31 =	sshll.u32 s1, $0xD;
	s1 =	sshrl.u32 s1, $0x2  }
0xba: {  	s3 =	sand.u32 $0x4000, s31;
	s1 =	sadd.s32 s1, s30  }
0xbb: {  	s0 =	sor.u32 s3, s0;
	s1 =	sshll.u32 s1, $0x11  }
0xbc: {  	s0 =	sor.u32 s1, s0  }
0xbd: {  	s0 =	sadd.s32 $0x8F2B, s0  }
0xbe: {  	[sflag:s0] =	ssyncadd.remote.s32 $0x1  }
0xbf: {  	_ =	sfence.sel $0xFFFF  }
0xc0: {  	[dreg:$0x0] =	wrdreg $0xFFFFFFFF;
	(pc) =	sbr.abs _section_cstart, $3  }
0xc1: {  	[dreg:$0x1] =	wrdreg $0xFFFFFFFF  }
0xc2: {  	_ =	task.clear_ibuf [dreg:s7], $0x2FFFF;
	_ =	strace $0x9FFFFFFF  }
0xc3: {  	(tm) =	ssettm $0x7FFFFFFF  }
tec
execute0_lowered:
.L_overlay_start_1:
0x0: {  	(tag) =	ssettag $0x1  }
0x1: {  	s7 =	rddreg [dreg:$0x0]  }
0x2: {  	s3 =	rddreg [dreg:$0x1]  }
0x3: {  	s1 =	rddreg [dreg:$0x2]  }
0x4: {  	s0 =	rddreg [dreg:$0x3];
	s2 =	simm.s32 $0x0;
	s4 =	srdreg.scid  }
0x5: {  	s15 =	simm.s32 $0x0;
	s8 =	sadd.s32 $0x41800, s3;
	s3 =	stileid.u32  }
0x6: {  	[smem:$0x7FF] =	sst s2;
	s5 =	sand.u32 $0x1, s4;
	s10 =	smul.u32 $0x9640, s3  }
0x7: {  	_ =	strace $0x80000047;
	s4 =	ssub.s32 $0x2, s5;
	s12 =	smul.u32 $0x2580, s3  }
0x8: {  	s6 =	sshll.u32 s3, $0xE;
	s9 =	sshll.u32 s5, $0x13;
	s24 =	smul.u32 $0x4B000, s5  }
0x9: {  	s5 =	sshllo.u32 s5, $0x1;
	s31 =	sshll.u32 s3, $0x6;
	s11 =	sshrl.u32 s4, $0x1  }
0xa: {  	s9 =	sor.u32 s6, s9;
	s13 =	sshll.u32 s5, $0x12;
	s14 =	smul.u32 $0x25800, s5  }
0xb: {  	s11 =	ssub.s32 s4, s11;
	s23 =	sshrl.u32 s9, $0x3;
	s10 =	sshrl.u32 s10, $0x2  }
0xc: {  	s9 =	sadd.s32 s12, s24;
	s25 =	sor.u32 s6, s13;
	s29 =	sadd.s32 s12, s1  }
0xd: {  	s13 =	sor.u32 $0x1C01, s31;
	s4 =	sadd.s32 s7, s23;
	s5 =	sadd.s32 s10, s1  }
0xe: {  	s9 =	sshrl.u32 s9, $0x3;
	s26 =	sshrl.u32 s25, $0x3;
	s28 =	sadd.s32 s12, s14  }
0xf: {  	s10 =	simm.s32 $0x1;
	s12 =	simm.s32 $0x4000;
	s14 =	sshrl.u32 s29, $0x3  }
0x10: {  	s6 =	sadd.s32 s8, s9;
	s7 =	sadd.s32 s7, s26;
	s30 =	sshrl.u32 s28, $0x3  }
0x11: {  	v0 =	vimm.f32 $1.000000000e+00;
	v1 =	vimm.f32 $0.0e+00;
	s9 =	smax.u32 s11, $0x1;
	s11 =	simm.s32 $0x8000;
	s8 =	sadd.s32 s8, s30  }
.LBB2_1:
0x12: {  	s16 =	simm.s32 $0x0;
	s17 =	simm.s32 $0x200  }
.LBB2_2:
0x13: {  	p0 =	sne.s32 s17, $0xFE00;
	[tilespmem:s16+$0x4070] =	vst v0  }
0x14: {  	[tilespmem:s16+$0x4000] =	vst v0  }
0x15: {  	[tilespmem:s16+$0x4010] =	vst v0  }
.Ltmp0:
0x16: {  	[tilespmem:s16+$0x4020] =	vst v0;
	(pc) =	sbr.rel @p0 .LBB2_2-.Ltmp0, $4  }
0x17: {  	[tilespmem:s16+$0x4030] =	vst v0  }
0x18: {  	[tilespmem:s16+$0x4040] =	vst v0  }
0x19: {  	[tilespmem:s16+$0x4050] =	vst v0  }
0x1a: {  	[tilespmem:s16+$0x4060] =	vst v0;
	s16 =	sshra.s32 s17, $0x2;
	s17 =	sadd.s32 $0x200, s17  }
0x1b: {  	[tilespmem:s16+$0x4070] =	vst v0  }
0x1c: {  	[tilespmem:s16+$0x4000] =	vst v0  }
0x1d: {  	[tilespmem:s16+$0x4010] =	vst v0  }
0x1e: {  	[tilespmem:s16+$0x4020] =	vst v0  }
0x1f: {  	[tilespmem:s16+$0x4030] =	vst v0  }
0x20: {  	[tilespmem:s16+$0x4040] =	vst v0  }
0x21: {  	[tilespmem:s16+$0x4050] =	vst v0  }
0x22: {  	[tilespmem:s16+$0x4060] =	vst v0;
	s16 =	simm.s32 $0x0;
	s17 =	simm.s32 $0x200  }
.LBB2_4:
0x23: {  	p0 =	sne.s32 s17, $0x9400;
	[tilespmem:s16+$0x8070] =	vst v1  }
0x24: {  	[tilespmem:s16+$0x8000] =	vst v1  }
0x25: {  	[tilespmem:s16+$0x8010] =	vst v1  }
.Ltmp1:
0x26: {  	[tilespmem:s16+$0x8020] =	vst v1;
	(pc) =	sbr.rel @p0 .LBB2_4-.Ltmp1, $4  }
0x27: {  	[tilespmem:s16+$0x8030] =	vst v1  }
0x28: {  	[tilespmem:s16+$0x8040] =	vst v1  }
0x29: {  	[tilespmem:s16+$0x8050] =	vst v1  }
0x2a: {  	[tilespmem:s16+$0x8060] =	vst v1;
	s16 =	sshra.s32 s17, $0x2;
	s17 =	sadd.s32 $0x200, s17  }
0x2b: {  	[tilespmem:s16+$0x8070] =	vst v1  }
0x2c: {  	[tilespmem:s16+$0x8000] =	vst v1  }
0x2d: {  	[tilespmem:s16+$0x8010] =	vst v1  }
0x2e: {  	[tilespmem:s16+$0x8020] =	vst v1  }
0x2f: {  	[tilespmem:s16+$0x8030] =	vst v1  }
0x30: {  	[tilespmem:s16+$0x8040] =	vst v1  }
0x31: {  	[tilespmem:s16+$0x8050] =	vst v1  }
0x32: {  	[tilespmem:s16+$0x8060] =	vst v1  }
0x33: {  	[tilespmem:s2], [sflag:$0x1] =	stream.linear.gather [hbm4b:s4+s2], $0x4000, $0x38;
	[tilespmem:$0xCB90] =	vst v63  }
0x34: {  	_ =	swait.ge [sflag:s10], $0x4000  }
0x35: {  	[sflag:s10] =	ssyncset.done $0x0  }
0x36: {  	[sflag:s10] =	ssyncadd.s32 $0xFFFFC000  }
0x37: {  	[spmem:s5] =	stream.linear.scatter [tilespmem:s11], [sflag:$0x1], $0x2590, $0x38;
	[tilespmem:$0xCB90] =	vst v63  }
0x38: {  	_ =	swait.ge [sflag:s10], $0x2590  }
0x39: {  	[sflag:s10] =	ssyncset.done $0x0  }
0x3a: {  	[sflag:s10] =	ssyncadd.s32 $0xFFFFDA70  }
0x3b: {  	[bflag:$0x0] =	sbarrier.arrive $0xFFFF  }
0x3c: {  	[spmem:s1] =	stream.indirect.scatter.add.f32 [tilespmem:s12], [sflag:$0x1], $0x1, s2, s12, $0xb8;
	[tilespmem:$0xCB90] =	vst v63  }
0x3d: {  	_ =	swait.ge [sflag:s10], $0x4000  }
0x3e: {  	[sflag:s10] =	ssyncset.done $0x0  }
0x3f: {  	[sflag:s10] =	ssyncadd.s32 $0xFFFFC000  }
0x40: {  	[bflag:$0x0] =	sbarrier.arrive $0xFFFF  }
0x41: {  	[hbm:s6], [sflag:s13] =	dma.local [spmem:s14], $0x4B0  }
0x42: {  	_ =	swait.ge [sflag:s10], $0x4B0  }
0x43: {  	[sflag:s10] =	ssyncset.done $0x0  }
0x44: {  	[sflag:s10] =	ssyncadd.s32 $0xFFFFFB50  }
0x45: {  	[bflag:$0x0] =	sbarrier.arrive $0xFFFF  }
0x46: {  	[tilespmem:s2], [sflag:$0x1] =	stream.linear.gather [hbm4b:s7+s2], $0x4000, $0x38;
	[tilespmem:$0xCB90] =	vst v63  }
0x47: {  	_ =	swait.ge [sflag:s10], $0x4000  }
0x48: {  	[sflag:s10] =	ssyncset.done $0x0  }
0x49: {  	[sflag:s10] =	ssyncadd.s32 $0xFFFFC000  }
0x4a: {  	[spmem:s5] =	stream.linear.scatter [tilespmem:s11], [sflag:$0x1], $0x2590, $0x38;
	[tilespmem:$0xCB90] =	vst v63  }
0x4b: {  	_ =	swait.ge [sflag:s10], $0x2590  }
0x4c: {  	[sflag:s10] =	ssyncset.done $0x0  }
0x4d: {  	[sflag:s10] =	ssyncadd.s32 $0xFFFFDA70  }
0x4e: {  	[bflag:$0x0] =	sbarrier.arrive $0xFFFF  }
0x4f: {  	[spmem:s1] =	stream.indirect.scatter.add.f32 [tilespmem:s12], [sflag:$0x1], $0x1, s2, s12, $0xb8;
	[tilespmem:$0xCB90] =	vst v63  }
0x50: {  	_ =	swait.ge [sflag:s10], $0x4000  }
0x51: {  	[sflag:s10] =	ssyncset.done $0x0  }
0x52: {  	s15 =	sadd.s32 $0x1, s15;
	[sflag:s10] =	ssyncadd.s32 $0xFFFFC000  }
0x53: {  	p0 =	sne.s32 s15, s9;
	[bflag:$0x0] =	sbarrier.arrive $0xFFFF  }
0x54: {  	[hbm:s8], [sflag:s13] =	dma.local [spmem:s14], $0x4B0  }
.Ltmp2:
0x55: {  	_ =	swait.ge [sflag:s10], $0x4B0;
	(pc) =	sbr.rel @p0 .LBB2_1-.Ltmp2, $3  }
0x56: {  	[sflag:s10] =	ssyncset.done $0x0  }
0x57: {  	[sflag:s10] =	ssyncadd.s32 $0xFFFFFB50  }
0x58: {  	[bflag:$0x0] =	sbarrier.arrive $0xFFFF;
	_ =	sdelay $0x1  }
0x59: {  	_ =	sfence.sel $0x180000  }
0x5a: {  	[bflag:$0x0] =	sbarrier.arrive $0xFFFF  }
0x5b: {  	p0 =	sne.s32 s3, $0x0;
	_ =	strace $0x90000047  }
0x5c: {  	s0 =	sadd.s32 @!p0 $0x100000, s0;
	[bflag:$0x2] =	sbarrier.arrive $0xFFFF  }
0x5d: {  	[sflag:s0] =	ssyncadd.tile.s32 @!p0 $0x1;
	_ =	shalt  }
.Lfunc_end2:
_tile_overlayer_lowered:
.L_overlay_start_2:
0x5e: {  	(tag) =	ssettag $0x2  }
0x5f: {  	s0 =	rddreg [dreg:$0x0];
	s2 =	stileid.u32  }
0x60: {  	s1 =	rddreg [dreg:$0x1];
	p0 =	sne.s32 s2, $0x0  }
0x61: {  	s3 =	rddreg [dreg:$0x2];
	[bflag:$0x3] =	sbarrier.arrive $0xFFFF;
	s2 =	simm.s32 @!p0 $0x1C01  }
0x62: {  	[timem:s3], [sflag:s2] =	dma.local @!p0 [hbm:s0], s1  }
0x63: {  	s0 =	simm.s32 @!p0 $0x1  }
0x64: {  	_ =	swait.ge @!p0 [sflag:s0], s1  }
0x65: {  	s1 =	ssub.s32 @!p0 $0x0, s1;
	[sflag:s0] =	ssyncset.done @!p0 $0x0  }
0x66: {  	[sflag:s0] =	ssyncadd.s32 @!p0 s1  }
0x67: {  	[bflag:$0x3] =	sbarrier.arrive $0xFFFF  }
0x68: {  	_ =	shalt  }

// kernel: kernel.9.cloned.1.call-start
scs
__scs_entry_jumppad:
0x0: {  	(pc) =	sbr.rel $0x88, $3  }
0x1: {  	(tag) =	ssettag $0x0;
	lr =	simm.s32 $0x1  }
0x2: {  	[smem:$0x3FA0] =	sst lr;
	_ =	strace $0xD0000000  }
0x3: {  	_ = 	snop  }
0x4: {  	_ = 	snop  }
0x5: {  	_ = 	snop  }
0x6: {  	_ = 	snop  }
0x7: {  	_ = 	snop  }
__scs_overlays_trampoline_lowered:
0x8: {  	[smem:$0x3FAF] =	sst s0  }
0x9: {  	[smem:$0x3FB0] =	sst s1  }
0xa: {  	[smem:$0x3FB1] =	sst s2  }
0xb: {  	[smem:$0x3FB2] =	sst s3  }
0xc: {  	[smem:$0x3FB3] =	sst s4  }
0xd: {  	[smem:$0x3FB4] =	sst s5  }
0xe: {  	[smem:$0x3FB5] =	sst s6  }
0xf: {  	[smem:$0x3FB6] =	sst s7  }
0x10: {  	[smem:$0x3FB7] =	sst s8  }
0x11: {  	[smem:$0x3FB8] =	sst s9;
	s0 =	simm.s32 @!p0 $0x0  }
0x12: {  	s1 =	sld [smem:$0x3F9E];
	s0 =	simm.s32 @p0 $0x1  }
0x13: {  	[smem:$0x3FB9] =	sst s0;
	s0 =	simm.s32 @!p1 $0x0  }
0x14: {  	s2 =	sld [smem:$0x3F9D];
	s0 =	simm.s32 @p1 $0x1  }
0x15: {  	[smem:$0x3FBA] =	sst s0;
	s0 =	simm.s32 @!p2 $0x0  }
0x16: {  	s3 =	sld [smem:$0x3FDB];
	s0 =	simm.s32 @p2 $0x1  }
0x17: {  	s4 =	simm.s32 $0x1BF5;
	[smem:$0x3FBC] =	sst s0  }
0x18: {  	s0 =	sld [smem:$0x3F9F];
	_ =	swait.ge [sflag:s4], $0x0  }
0x19: {  	s7 =	sld [smem:$0x3FA0]  }
0x1a: {  	s8 =	sadd.s32 $0xFFFFE003, lr  }
0x1b: {  	s9 =	sadd.s32 $0xFFFFFEF7, lr;
	s5 =	simm.s32 $0xFFFFFFFF;
	p2 =	slt.u32 s8, $0xFFFFF086  }
0x1c: {  	p1 =	slt.u32 s9, $0xF7A;
	s5 =	simm.s32 @!p2 $0x0  }
0x1d: {  	s5 =	simm.s32 @p1 $0x1;
	p0 =	seq.s32 s7, s2  }
0x1e: {  	s7 =	smul.u32 @!p0 $0xF7A, s2;
	p2 =	seq.s32 @!p0 s5, $0x0  }
0x1f: {  	s9 =	smul.u32 $0xF7A, s1;
	s8 =	simm.s32 @!p0 $0x1BF5;
	p2 =	por !p2, p0  }
0x20: {  	[sflag:s8] =	ssyncset.s32 @!p0 $0xFFFFF086;
	s6 =	sadd.s32 @!p0 s3, s7;
	s7 =	simm.s32 @!p0 $0x108  }
0x21: {  	s3 =	sadd.s32 s3, s9;
	s6 =	sadd.s32 @!p0 $0x88, s6;
	s7 =	simm.s32 @p2 $0x1082  }
0x22: {  	[simem:s7], [sflag:s8] =	dma.local @!p0 [hbm:s6], $0xF7A  }
0x23: {  	s9 =	sor.u32 $0xD0000000, s2;
	s6 =	simm.s32 $0x108;
	_ =	swait.ge @!p0 [sflag:s8], $0x0  }
0x24: {  	s3 =	sadd.s32 $0x88, s3;
	s6 =	simm.s32 @!p1 $0x1082;
	[sflag:s4] =	ssyncset.s32 $0xFFFFF086  }
0x25: {  	[simem:s6], [sflag:s4] =	dma.local [hbm:s3], $0xF7A  }
0x26: {  	[smem:$0x3FA0] =	sst s1;
	(tag) =	ssettag s2;
	_ =	strace s9  }
0x27: {  	s1 =	sld [smem:$0x3FB0]  }
0x28: {  	s2 =	sld [smem:$0x3FB1]  }
0x29: {  	s4 =	sld [smem:$0x3FB3]  }
0x2a: {  	p0 =	seq.s32 s5, $0x0;
	s5 =	sld [smem:$0x3FB4]  }
0x2b: {  	s6 =	sld [smem:$0x3FB5]  }
0x2c: {  	s7 =	sld [smem:$0x3FB6]  }
0x2d: {  	s3 =	simm.s32 $0x108;
	s8 =	sld [smem:$0x3FB7]  }
0x2e: {  	s3 =	simm.s32 @!p0 $0x1082;
	s9 =	sld [smem:$0x3FB8]  }
0x2f: {  	lr =	sadd.s32 s0, s3;
	s0 =	sld [smem:$0x3FAF]  }
0x30: {  	s3 =	sld [smem:$0x3FB2]  }
0x31: {  	[smem:$0x3FBB] =	sst s10  }
0x32: {  	s10 =	sld [smem:$0x3FB9];
	_ =	sdelay $0x3  }
0x33: {  	p0 =	seq.s32 s10, $0x1;
	s10 =	sld [smem:$0x3FBB];
	_ =	sdelay $0x3  }
0x34: {  	[smem:$0x3FBB] =	sst s10  }
0x35: {  	s10 =	sld [smem:$0x3FBA];
	_ =	sdelay $0x3  }
0x36: {  	p1 =	seq.s32 s10, $0x1;
	s10 =	sld [smem:$0x3FBB];
	_ =	sdelay $0x3  }
0x37: {  	[smem:$0x3FBB] =	sst s10  }
0x38: {  	s10 =	sld [smem:$0x3FBC]  }
0x39: {  	_ = 	snop;
	(pc) =	sbr.ind lr, $3  }
0x3a: {  	_ = 	snop  }
0x3b: {  	_ = 	snop  }
0x3c: {  	p2 =	seq.s32 s10, $0x1;
	s10 =	sld [smem:$0x3FBB]  }
0x3d: {  	_ =	shalt  }
0x3e: {  	_ =	shalt  }
0x3f: {  	_ =	shalt  }
0x40: {  	_ =	shalt  }
0x41: {  	_ =	shalt  }
0x42: {  	_ =	shalt  }
0x43: {  	_ =	shalt  }
0x44: {  	_ =	shalt  }
0x45: {  	_ =	shalt  }
0x46: {  	_ =	shalt  }
0x47: {  	_ =	shalt  }
0x48: {  	_ =	shalt  }
0x49: {  	_ =	shalt  }
0x4a: {  	_ =	shalt  }
0x4b: {  	_ =	shalt  }
0x4c: {  	_ =	shalt  }
0x4d: {  	_ =	shalt  }
0x4e: {  	_ =	shalt  }
0x4f: {  	_ =	shalt  }
0x50: {  	_ =	shalt  }
0x51: {  	_ =	shalt  }
0x52: {  	_ =	shalt  }
0x53: {  	_ =	shalt  }
0x54: {  	_ =	shalt  }
0x55: {  	_ =	shalt  }
0x56: {  	_ =	shalt  }
0x57: {  	_ =	shalt  }
0x58: {  	_ =	shalt  }
0x59: {  	_ =	shalt  }
0x5a: {  	_ =	shalt  }
0x5b: {  	_ =	shalt  }
0x5c: {  	_ =	shalt  }
0x5d: {  	_ =	shalt  }
0x5e: {  	_ =	shalt  }
0x5f: {  	_ =	shalt  }
0x60: {  	_ =	shalt  }
0x61: {  	_ =	shalt  }
0x62: {  	_ =	shalt  }
0x63: {  	_ =	shalt  }
0x64: {  	_ =	shalt  }
0x65: {  	_ =	shalt  }
0x66: {  	_ =	shalt  }
0x67: {  	_ =	shalt  }
0x68: {  	_ =	shalt  }
0x69: {  	_ =	shalt  }
0x6a: {  	_ =	shalt  }
0x6b: {  	_ =	shalt  }
0x6c: {  	_ =	shalt  }
0x6d: {  	_ =	shalt  }
0x6e: {  	_ =	shalt  }
0x6f: {  	_ =	shalt  }
0x70: {  	_ =	shalt  }
0x71: {  	_ =	shalt  }
0x72: {  	_ =	shalt  }
0x73: {  	_ =	shalt  }
0x74: {  	_ =	shalt  }
0x75: {  	_ =	shalt  }
0x76: {  	_ =	shalt  }
0x77: {  	_ =	shalt  }
0x78: {  	_ =	shalt  }
0x79: {  	_ =	shalt  }
0x7a: {  	_ =	shalt  }
0x7b: {  	_ =	shalt  }
0x7c: {  	_ =	shalt  }
0x7d: {  	_ =	shalt  }
0x7e: {  	_ =	shalt  }
0x7f: {  	_ =	shalt  }
0x80: {  	_ =	shalt  }
0x81: {  	_ =	shalt  }
0x82: {  	_ =	shalt  }
0x83: {  	_ =	shalt  }
0x84: {  	_ =	shalt  }
0x85: {  	_ =	shalt  }
0x86: {  	_ =	shalt  }
0x87: {  	_ =	shalt  }
.Lfunc_end0:
.L_simem_size_0:
called_computation_lowered:
.L_overlay_start_0:
0x88: {  	s2 =	sld [smem:$0x3FD9]  }
0x89: {  	s3 =	sld [smem:$0x3FFE];
	_ =	sdelay $0x1  }
0x8a: {  	s1 =	srdreg.scid  }
0x8b: {  	s0 =	sand.u32 $0x1, s1  }
0x8c: {  	s17 =	sshll.u32 s0, $0xA;
	s2 =	sadd.s32 s3, s2  }
0x8d: {  	s2 =	sadd.s32 s2, s17  }
0x8e: {  	[smem:$0x3FC7] =	sst s2  }
0x8f: {  	_ = 	snop  }
0x90: {  	(tm) =	ssettm $0x1  }
0x91: {  	s18 =	sld [smem:$0x3FFB];
	_ =	sdelay $0x3  }
0x92: {  	_ =	strace s18  }
0x93: {  	s2 =	sld [smem:$0x3FFC];
	_ =	sdelay $0x3  }
0x94: {  	_ =	strace s2  }
0x95: {  	s2 =	sld [smem:$0x3FFD];
	_ =	sdelay $0x3  }
0x96: {  	_ =	strace s2  }
0x97: {  	_ =	strace $0x8FFFFFFF  }
0x98: {  	s19 =	sld [smem:$0x3FDB];
	_ =	sdelay $0x1  }
0x99: {  	s20 =	simm.s32 $_scs_section_size  }
0x9a: {  	s4 =	simm.s32 $_size__tile_overlayer_lowered;
	s5 =	simm.s32 $_tile_overlayer_lowered  }
0x9b: {  	s6 =	simm.s32 $0x1BFF;
	s21 =	sshll.u32 s5, $0x1;
	s3 =	sadd.s32 s20, s19  }
0x9c: {  	s22 =	simm.s32 $0x0;
	s4 =	sshll.u32 s4, $0x1;
	s5 =	sadd.s32 s21, s3  }
0x9d: {  	[timem:s22], [sflag:s6] =	dma.local [hbm:s5], s4  }
0x9e: {  	_ =	swait.ge [sflag:s6], s4  }
0x9f: {  	s4 =	ssub.s32 $0x0, s4;
	[sflag:s6] =	ssyncset.done $0x0  }
0xa0: {  	[sflag:s6] =	ssyncadd.s32 s4;
	_ =	sdelay $0x1  }
0xa1: {  	s23 =	simm.s32 $0x1B8B  }
0xa2: {  	_ =	swait.ge [sflag:s23], $0x1  }
0xa3: {  	[sflag:s23] =	ssyncset.done $0x0  }
0xa4: {  	[sflag:s23] =	ssyncadd.s32 $0xFFFFFFFF  }
0xa5: {  	s4 =	sld [smem:$0x0]  }
0xa6: {  	s5 =	sand.u32 $0xFFFFFFFE, s1  }
0xa7: {  	p0 =	sne.s32 s1, s5  }
0xa8: {  	s5 =	sshll.u32 @p0 s5, $0xE  }
0xa9: {  	s5 =	sadd.s32 @p0 $0x11B8D, s5;
	s6 =	sshll.u32 @p0 s4, $0x11  }
0xaa: {  	s5 =	sor.u32 @p0 s6, s5  }
0xab: {  	[sflag:s5] =	ssyncadd.remote.s32 @p0 $0x1;
	_ =	sdelay $0x1  }
0xac: {  	s5 =	simm.s32 @p0 $0x1B8D  }
0xad: {  	_ =	swait.eq @p0 [sflag:s5], $0x1  }
0xae: {  	[sflag:s5] =	ssyncadd.s32 @p0 $0xFFFFFFFF  }
0xaf: {  	s6 =	sshll.u32 @!p0 s1, $0xE  }
0xb0: {  	s6 =	sor.u32 @!p0 $0x4000, s6;
	s5 =	simm.s32 @!p0 $0x1B8D  }
0xb1: {  	s4 =	sshll.u32 @!p0 s4, $0x11;
	s6 =	sadd.s32 @!p0 $0x11B8D, s6;
	_ =	swait.eq @!p0 [sflag:s5], $0x1  }
0xb2: {  	s4 =	sor.u32 @!p0 s4, s6;
	[sflag:s5] =	ssyncadd.s32 @!p0 $0xFFFFFFFF  }
0xb3: {  	s25 =	simm.s32 $0x1B8E;
	s24 =	sld [smem:$0x3FFE];
	[sflag:s4] =	ssyncadd.remote.s32 @!p0 $0x1  }
0xb4: {  	s26 =	simm.s32 $execute0_lowered;
	[smem:$0x3FD2] =	sst s25  }
0xb5: {  	s5 =	sshll.u32 s26, $0x1;
	_ =	strace $0x80000049;
	[dreg:$0x1] =	wrdreg $0xFFFFFFFF  }
0xb6: {  	s28 =	simm.s32 $_size_execute0_lowered;
	s3 =	sadd.s32 s3, s5;
	[dreg:$0x0] =	wrdreg $0x0  }
0xb7: {  	s5 =	sshll.u32 s28, $0x1;
	[dreg:$0x2] =	wrdreg s3  }
0xb8: {  	[dreg:$0x3] =	wrdreg s5  }
0xb9: {  	[dreg:$0x4] =	wrdreg $0xC0  }
0xba: {  	_ =	task [dreg:s22], $0x5FFFF  }
0xbb: {  	[dreg:$0x1] =	wrdreg $0xFFFFFFFF  }
0xbc: {  	[dreg:$0x0] =	wrdreg $0x60  }
0xbd: {  	[dreg:$0x2] =	wrdreg s24  }
0xbe: {  	[dreg:$0x3] =	wrdreg $0xA6000  }
0xbf: {  	[dreg:$0x4] =	wrdreg $0x9  }
0xc0: {  	_ =	task.clear_ibuf [dreg:s22], $0x5FFFF;
	_ =	strace $0x90000049  }
0xc1: {  	s29 =	simm.s32 $0x9;
	_ =	strace $0x8000004B  }
0xc2: {  	_ =	swait.ge [sflag:s29], $0x1  }
0xc3: {  	[sflag:s29] =	ssyncadd.s32 $0xFFFFFFFF  }
0xc4: {  	_ =	strace $0x9000004B  }
0xc5: {  	_ =	sfence  }
0xc6: {  	s30 =	sld [smem:$0x0];
	_ =	sdelay $0x2  }
0xc7: {  	s31 =	sshll.u32 s1, $0xD;
	s1 =	sshrl.u32 s1, $0x2  }
0xc8: {  	s4 =	sand.u32 $0x4000, s31;
	s1 =	sadd.s32 s1, s30  }
0xc9: {  	s0 =	sor.u32 s4, s0;
	s1 =	sshll.u32 s1, $0x11  }
0xca: {  	s0 =	sor.u32 s1, s0  }
0xcb: {  	s0 =	sadd.s32 $0x8F2B, s0  }
0xcc: {  	[sflag:s0] =	ssyncadd.remote.s32 $0x1  }
0xcd: {  	_ =	sfence.sel $0xFFFF  }
0xce: {  	[dreg:$0x0] =	wrdreg $0xFFFFFFFF;
	(pc) =	sbr.abs _section_cstart, $3  }
0xcf: {  	[dreg:$0x1] =	wrdreg $0xFFFFFFFF  }
0xd0: {  	_ =	task.clear_ibuf [dreg:s22], $0x2FFFF;
	_ =	strace $0x9FFFFFFF  }
0xd1: {  	(tm) =	ssettm $0x7FFFFFFF  }
tec
execute0_lowered:
.L_overlay_start_1:
0x0: {  	(tag) =	ssettag $0x1  }
0x1: {  	s3 =	rddreg [dreg:$0x0]  }
0x2: {  	s1 =	rddreg [dreg:$0x1]  }
0x3: {  	s0 =	rddreg [dreg:$0x2];
	s2 =	simm.s32 $0x0  }
0x4: {  	s4 =	srdreg.scid;
	s14 =	simm.s32 $0x0;
	[smem:$0x7FF] =	sst s2  }
0x5: {  	s7 =	sadd.s32 $0x1800, s3;
	s8 =	sadd.s32 $0x21800, s3;
	s3 =	stileid.u32  }
0x6: {  	s4 =	sand.u32 $0x1, s4;
	_ =	strace $0x8000004A;
	s11 =	smul.u32 $0x9640, s3  }
0x7: {  	s5 =	ssub.s32 $0x2, s4;
	s9 =	sshll.u32 s3, $0xE;
	s26 =	smul.u32 $0x2580, s3  }
0x8: {  	s10 =	sshll.u32 s4, $0x13;
	s28 =	smul.u32 $0x4B000, s4;
	s13 =	sshllo.u32 s4, $0x1  }
0x9: {  	s6 =	sshrl.u32 s5, $0x1;
	s25 =	sor.u32 s9, s10;
	s30 =	smul.u32 $0x25800, s13  }
0xa: {  	s13 =	sshll.u32 s13, $0x12;
	s10 =	simm.s32 $0x1;
	s12 =	ssub.s32 s5, s6  }
0xb: {  	s5 =	sshrl.u32 s25, $0x3;
	s29 =	sshrl.u32 s11, $0x2;
	s6 =	sadd.s32 s26, s28  }
0xc: {  	s9 =	sor.u32 s9, s13;
	s31 =	sadd.s32 s26, s1;
	s4 =	sadd.s32 s7, s5  }
0xd: {  	s5 =	sadd.s32 s29, s1;
	s6 =	sshrl.u32 s6, $0x3;
	s11 =	sadd.s32 s26, s30  }
0xe: {  	s9 =	sshrl.u32 s9, $0x3;
	s13 =	sshrl.u32 s31, $0x3;
	s6 =	sadd.s32 s8, s6  }
0xf: {  	s11 =	sshrl.u32 s11, $0x3;
	s7 =	sadd.s32 s7, s9;
	s9 =	smax.u32 s12, $0x1  }
0x10: {  	v0 =	vimm.f32 $1.000000000e+00;
	v1 =	vimm.f32 $0.0e+00;
	s12 =	simm.s32 $0x4000;
	s8 =	sadd.s32 s8, s11;
	s11 =	simm.s32 $0x8000  }
.LBB2_1:
0x11: {  	s15 =	simm.s32 $0x0;
	s16 =	simm.s32 $0x200  }
.LBB2_2:
0x12: {  	p0 =	sne.s32 s16, $0xFE00;
	[tilespmem:s15+$0x4070] =	vst v0  }
0x13: {  	[tilespmem:s15+$0x4000] =	vst v0  }
0x14: {  	[tilespmem:s15+$0x4010] =	vst v0  }
.Ltmp0:
0x15: {  	[tilespmem:s15+$0x4020] =	vst v0;
	(pc) =	sbr.rel @p0 .LBB2_2-.Ltmp0, $4  }
0x16: {  	[tilespmem:s15+$0x4030] =	vst v0  }
0x17: {  	[tilespmem:s15+$0x4040] =	vst v0  }
0x18: {  	[tilespmem:s15+$0x4050] =	vst v0  }
0x19: {  	[tilespmem:s15+$0x4060] =	vst v0;
	s15 =	sshra.s32 s16, $0x2;
	s16 =	sadd.s32 $0x200, s16  }
0x1a: {  	[tilespmem:s15+$0x4070] =	vst v0  }
0x1b: {  	[tilespmem:s15+$0x4000] =	vst v0  }
0x1c: {  	[tilespmem:s15+$0x4010] =	vst v0  }
0x1d: {  	[tilespmem:s15+$0x4020] =	vst v0  }
0x1e: {  	[tilespmem:s15+$0x4030] =	vst v0  }
0x1f: {  	[tilespmem:s15+$0x4040] =	vst v0  }
0x20: {  	[tilespmem:s15+$0x4050] =	vst v0  }
0x21: {  	[tilespmem:s15+$0x4060] =	vst v0;
	s15 =	simm.s32 $0x0;
	s16 =	simm.s32 $0x200  }
.LBB2_4:
0x22: {  	p0 =	sne.s32 s16, $0x9400;
	[tilespmem:s15+$0x8070] =	vst v1  }
0x23: {  	[tilespmem:s15+$0x8000] =	vst v1  }
0x24: {  	[tilespmem:s15+$0x8010] =	vst v1  }
.Ltmp1:
0x25: {  	[tilespmem:s15+$0x8020] =	vst v1;
	(pc) =	sbr.rel @p0 .LBB2_4-.Ltmp1, $4  }
0x26: {  	[tilespmem:s15+$0x8030] =	vst v1  }
0x27: {  	[tilespmem:s15+$0x8040] =	vst v1  }
0x28: {  	[tilespmem:s15+$0x8050] =	vst v1  }
0x29: {  	[tilespmem:s15+$0x8060] =	vst v1;
	s15 =	sshra.s32 s16, $0x2;
	s16 =	sadd.s32 $0x200, s16  }
0x2a: {  	[tilespmem:s15+$0x8070] =	vst v1  }
0x2b: {  	[tilespmem:s15+$0x8000] =	vst v1  }
0x2c: {  	[tilespmem:s15+$0x8010] =	vst v1  }
0x2d: {  	[tilespmem:s15+$0x8020] =	vst v1  }
0x2e: {  	[tilespmem:s15+$0x8030] =	vst v1  }
0x2f: {  	[tilespmem:s15+$0x8040] =	vst v1  }
0x30: {  	[tilespmem:s15+$0x8050] =	vst v1  }
0x31: {  	[tilespmem:s15+$0x8060] =	vst v1  }
0x32: {  	[tilespmem:s2], [sflag:$0x1] =	stream.linear.gather [hbm4b:s4+s2], $0x4000, $0x38;
	[tilespmem:$0xCB90] =	vst v63  }
0x33: {  	_ =	swait.ge [sflag:s10], $0x4000  }
0x34: {  	[sflag:s10] =	ssyncset.done $0x0  }
0x35: {  	[sflag:s10] =	ssyncadd.s32 $0xFFFFC000  }
0x36: {  	[spmem:s5] =	stream.linear.scatter [tilespmem:s11], [sflag:$0x1], $0x2590, $0x38;
	[tilespmem:$0xCB90] =	vst v63  }
0x37: {  	_ =	swait.ge [sflag:s10], $0x2590  }
0x38: {  	[sflag:s10] =	ssyncset.done $0x0  }
0x39: {  	[sflag:s10] =	ssyncadd.s32 $0xFFFFDA70  }
0x3a: {  	[bflag:$0x0] =	sbarrier.arrive $0xFFFF  }
0x3b: {  	[spmem:s1] =	stream.indirect.scatter.add.f32 [tilespmem:s12], [sflag:$0x1], $0x1, s2, s12, $0xb8;
	[tilespmem:$0xCB90] =	vst v63  }
0x3c: {  	_ =	swait.ge [sflag:s10], $0x4000  }
0x3d: {  	[sflag:s10] =	ssyncset.done $0x0  }
0x3e: {  	s31 =	sshll.u32 s3, $0x6;
	[sflag:s10] =	ssyncadd.s32 $0xFFFFC000  }
0x3f: {  	s15 =	sor.u32 $0x1C01, s31;
	[bflag:$0x0] =	sbarrier.arrive $0xFFFF  }
0x40: {  	[hbm:s6], [sflag:s15] =	dma.local [spmem:s13], $0x4B0  }
0x41: {  	_ =	swait.ge [sflag:s10], $0x4B0  }
0x42: {  	[sflag:s10] =	ssyncset.done $0x0  }
0x43: {  	[sflag:s10] =	ssyncadd.s32 $0xFFFFFB50  }
0x44: {  	[bflag:$0x0] =	sbarrier.arrive $0xFFFF  }
0x45: {  	[tilespmem:s2], [sflag:$0x1] =	stream.linear.gather [hbm4b:s7+s2], $0x4000, $0x38;
	[tilespmem:$0xCB90] =	vst v63  }
0x46: {  	_ =	swait.ge [sflag:s10], $0x4000  }
0x47: {  	[sflag:s10] =	ssyncset.done $0x0  }
0x48: {  	[sflag:s10] =	ssyncadd.s32 $0xFFFFC000  }
0x49: {  	[spmem:s5] =	stream.linear.scatter [tilespmem:s11], [sflag:$0x1], $0x2590, $0x38;
	[tilespmem:$0xCB90] =	vst v63  }
0x4a: {  	_ =	swait.ge [sflag:s10], $0x2590  }
0x4b: {  	[sflag:s10] =	ssyncset.done $0x0  }
0x4c: {  	[sflag:s10] =	ssyncadd.s32 $0xFFFFDA70  }
0x4d: {  	[bflag:$0x0] =	sbarrier.arrive $0xFFFF  }
0x4e: {  	[spmem:s1] =	stream.indirect.scatter.add.f32 [tilespmem:s12], [sflag:$0x1], $0x1, s2, s12, $0xb8;
	[tilespmem:$0xCB90] =	vst v63  }
0x4f: {  	_ =	swait.ge [sflag:s10], $0x4000  }
0x50: {  	[sflag:s10] =	ssyncset.done $0x0  }
0x51: {  	s14 =	sadd.s32 $0x1, s14;
	[sflag:s10] =	ssyncadd.s32 $0xFFFFC000  }
0x52: {  	p0 =	sne.s32 s14, s9;
	[bflag:$0x0] =	sbarrier.arrive $0xFFFF  }
0x53: {  	[hbm:s8], [sflag:s15] =	dma.local [spmem:s13], $0x4B0  }
.Ltmp2:
0x54: {  	_ =	swait.ge [sflag:s10], $0x4B0;
	(pc) =	sbr.rel @p0 .LBB2_1-.Ltmp2, $3  }
0x55: {  	[sflag:s10] =	ssyncset.done $0x0  }
0x56: {  	[sflag:s10] =	ssyncadd.s32 $0xFFFFFB50  }
0x57: {  	[bflag:$0x0] =	sbarrier.arrive $0xFFFF;
	_ =	sdelay $0x1  }
0x58: {  	_ =	sfence.sel $0x180000  }
0x59: {  	[bflag:$0x0] =	sbarrier.arrive $0xFFFF  }
0x5a: {  	p0 =	sne.s32 s3, $0x0;
	_ =	strace $0x9000004A  }
0x5b: {  	s0 =	sadd.s32 @!p0 $0x100000, s0;
	[bflag:$0x2] =	sbarrier.arrive $0xFFFF  }
0x5c: {  	[sflag:s0] =	ssyncadd.tile.s32 @!p0 $0x1;
	_ =	shalt  }
.Lfunc_end2:
_tile_overlayer_lowered:
.L_overlay_start_2:
0x5d: {  	(tag) =	ssettag $0x2  }
0x5e: {  	s0 =	rddreg [dreg:$0x0];
	s2 =	stileid.u32  }
0x5f: {  	s1 =	rddreg [dreg:$0x1];
	p0 =	sne.s32 s2, $0x0  }
0x60: {  	s3 =	rddreg [dreg:$0x2];
	[bflag:$0x3] =	sbarrier.arrive $0xFFFF;
	s2 =	simm.s32 @!p0 $0x1C01  }
0x61: {  	[timem:s3], [sflag:s2] =	dma.local @!p0 [hbm:s0], s1  }
0x62: {  	s0 =	simm.s32 @!p0 $0x1  }
0x63: {  	_ =	swait.ge @!p0 [sflag:s0], s1  }
0x64: {  	s1 =	ssub.s32 @!p0 $0x0, s1;
	[sflag:s0] =	ssyncset.done @!p0 $0x0  }
0x65: {  	[sflag:s0] =	ssyncadd.s32 @!p0 s1  }
0x66: {  	[bflag:$0x3] =	sbarrier.arrive $0xFFFF  }
0x67: {  	_ =	shalt  }

</sc_bundles>
